<compile_context>
chip_gen: v7x
topology: tpu7x:2x2x1
jax: 0.10.2.dev20260603
libtpu: 0.0.44.dev20260713+nightly
codegen_flags: <defaults>
</compile_context>

<pallas_src>
import functools

import jax
import jax.numpy as jnp
from jax import lax
from jax.experimental import pallas as pl
from jax.experimental.pallas import tpu as pltpu
from jax.experimental.pallas import tpu_sc as plsc

_B = 512
_A = 64
_H = 16
_E = 80
_L = 16
_NW = 32
_BPW = _B // _NW

_D, _K, _T = 100.0, 30.0, 0.7


def _sc_bee_game(movements, votes, hv):
    mesh = plsc.VectorSubcoreMesh(core_axis_name="c", subcore_axis_name="s")

    @functools.partial(
        pl.kernel,
        out_type=(
            jax.ShapeDtypeStruct((_NW, _L), jnp.float32),
            jax.ShapeDtypeStruct((_B,), jnp.float32),
        ),
        mesh=mesh,
        compiler_params=pltpu.CompilerParams(
            needs_layout_passes=False, use_tc_tiling_on_sc=False),
        scratch_types=[
            pltpu.VMEM((_BPW, _A, _H), jnp.float32),
            pltpu.VMEM((_BPW, _E, 2), jnp.float32),
            pltpu.VMEM((_BPW, _H), jnp.float32),
            pltpu.VMEM((_BPW, _H), jnp.float32),
            pltpu.VMEM((_L,), jnp.float32),
            pltpu.VMEM((_L,), jnp.float32),
        ],
    )
    def k(mov_hbm, votes_hbm, hv_hbm, part_out, mf_out,
          votes_v, mov_v, hv_v, counts_v, mf_st, part_st):
        wid = lax.axis_index("s") * 2 + lax.axis_index("c")
        base = wid * _BPW

        pltpu.sync_copy(votes_hbm.at[pl.ds(base, _BPW)], votes_v)
        pltpu.sync_copy(mov_hbm.at[pl.ds(base, _BPW)], mov_v)
        pltpu.sync_copy(hv_hbm.at[pl.ds(base, _BPW)], hv_v)

        lane = lax.broadcasted_iota(jnp.int32, (_L,), 0)
        fzero = jnp.zeros((_L,), jnp.float32)
        fone = jnp.ones((_L,), jnp.float32)
        izero = jnp.zeros((_L,), jnp.int32)
        ione = jnp.ones((_L,), jnp.int32)

        for r in range(_BPW):
            counts_v[r, :] = fzero

        def agent_body(a, values_acc):
            av = jnp.full((_L,), a, jnp.int32)
            bv = jnp.full((_L,), -jnp.inf, jnp.float32)
            bi = izero
            for h in range(_H):
                v = plsc.load_gather(
                    votes_v, [lane, av, jnp.full((_L,), h, jnp.int32)])
                better = v > bv
                bv = jnp.where(better, v, bv)
                bi = jnp.where(better, jnp.full((_L,), h, jnp.int32), bi)
            val = plsc.load_gather(hv_v, [lane, bi])
            plsc.addupdate_scatter(counts_v, [lane, bi], fone)
            return values_acc + val

        values = lax.fori_loop(0, _A, agent_body, fzero)

        mc = fzero
        for h in range(_H):
            mc = jnp.maximum(
                mc, plsc.load_gather(counts_v,
                                     [lane, jnp.full((_L,), h, jnp.int32)]))
        mf = mc * (1.0 / _A)

        e = jnp.exp(_K * (mf - _T))
        vote_part = -(values * (1.0 + e)) * (1.0 / _D)

        def mov_body(j, acc):
            jv = jnp.full((_L,), j, jnp.int32)
            mx = plsc.load_gather(mov_v, [lane, jv, izero])
            my = plsc.load_gather(mov_v, [lane, jv, ione])
            s = mx * mx + my * my
            i = plsc.bitcast(s, jnp.int32)
            i = 0x5F3759DF - lax.shift_right_logical(i, 1)
            y = plsc.bitcast(i, jnp.float32)
            for _ in range(4):
                y = y * (1.5 - 0.5 * s * y * y)
            return acc + jnp.where(s > 0.0, s * y, fzero)

        mov_part = lax.fori_loop(0, _E, mov_body, fzero)

        part_st[...] = vote_part + mov_part
        mf_st[...] = mf
        pltpu.sync_copy(part_st, part_out.at[wid])
        pltpu.sync_copy(mf_st, mf_out.at[pl.ds(base, _L)])

    return k(movements, votes, hv)


def kernel(movements, utterances, votes, hive_values, locations):
    del utterances, locations
    hv = jnp.squeeze(hive_values, axis=-1)
    partials, max_freq = _sc_bee_game(movements, votes, hv)
    return jnp.sum(partials), max_freq

# --- scband reference (transcript-rebuilt; emitter-appended) ---
"""Pipeline reference for scband-bee-game-module-12214886990702 (READ-ONLY COPY).

The authoritative reference and input builder live on the scoring server;
editing this copy changes nothing except your own understanding.
"""

import jax, jax.numpy as jnp
import numpy as np

B = 512
NUM_SWARM = 48
NUM_SCOUTS = 16
NUM_HIVES = 16
NUM_AGENTS = NUM_SWARM + NUM_SCOUTS  # 64
NUM_ENTITIES = NUM_AGENTS + NUM_HIVES  # 80
VOCAB = 32
WORLD_DIM = 10.0


def setup_inputs(seed: int = 0) -> dict:
    key = jax.random.key(seed)
    k1, k2, k3, k4, k5 = jax.random.split(key, 5)
    movements = jax.random.normal(k1, (B, NUM_ENTITIES, 2), dtype=jnp.float32)
    utterances = jax.random.normal(k2, (B, NUM_AGENTS, VOCAB), dtype=jnp.float32)
    votes = jax.random.normal(k3, (B, NUM_AGENTS, NUM_HIVES), dtype=jnp.float32)
    # module state created in __init__
    hive_values = jax.random.uniform(k4, (B, NUM_HIVES, 1), dtype=jnp.float32)
    locations = jax.random.uniform(k5, (B, NUM_ENTITIES, 2), dtype=jnp.float32) * WORLD_DIM
    return {"movements": movements, "utterances": utterances, "votes": votes,
            "hive_values": hive_values, "locations": locations}


def reference(movements, utterances, votes, hive_values, locations):
    # state updates from forward() (do not affect returned cost)
    new_locations = locations + movements
    agent_baselines = new_locations[:, :NUM_AGENTS]
    observations = new_locations[:, None, :, :] - agent_baselines[:, :, None, :]  # noqa: F841 (state)

    # compute_movement_cost
    movement_cost = jnp.sum(jnp.sqrt(jnp.sum(movements ** 2, axis=-1)))

    # compute_vote_cost
    d, k, t = 100.0, 30.0, 0.7
    agent_vote = jnp.argmax(votes, axis=2)  # [B, A]

    # value(): per-batch gather of hive_values at each agent's chosen hive, summed
    hv = jnp.squeeze(hive_values, axis=-1)  # [B, H]
    values = jnp.sum(jnp.take_along_axis(hv, agent_vote, axis=1), axis=1)  # [B]

    # max_freq(): histogram of votes per batch over hive ids, take max frequency.
    # torch version stacks counts for each unique vote id; absent ids have count 0
    # and never win the max, so counting over all hive ids is equivalent.
    counts = jnp.sum(jax.nn.one_hot(agent_vote, NUM_HIVES, dtype=jnp.float32), axis=1)  # [B, H]
    max_freq = jnp.max(counts, axis=1) / NUM_AGENTS  # [B]

    discount = d * (1.0 - jax.nn.sigmoid(k * (max_freq - t)))
    vote_cost = -(values / discount).sum()
    return (vote_cost + movement_cost, max_freq)

if __name__ == "__main__":
    import jax
    _d = setup_inputs()
    print(jax.jit(kernel)(*tuple(_d.values())))

</pallas_src>

<mosaic_0001>
#map = affine_map<(d0, d1) -> (0, 0, 0)>
#map1 = affine_map<(d0, d1) -> (0, 0)>
#map2 = affine_map<(d0, d1) -> (0)>
module attributes {stable_mosaic.version = 14 : i64} {
  func.func @k(%arg0: i32, %arg1: i32, %arg2: memref<512x80x2xf32, #tpu.memory_space<hbm>>, %arg3: memref<512x64x16xf32, #tpu.memory_space<hbm>>, %arg4: memref<512x16xf32, #tpu.memory_space<hbm>>, %arg5: memref<32x16xf32, #tpu.memory_space<hbm>>, %arg6: memref<512xf32, #tpu.memory_space<hbm>>, %arg7: memref<16x64x16xf32, #tpu.memory_space<vmem>>, %arg8: memref<16x80x2xf32, #tpu.memory_space<vmem>>, %arg9: memref<16x16xf32, #tpu.memory_space<vmem>>, %arg10: memref<16x16xf32, #tpu.memory_space<vmem>>, %arg11: memref<16xf32, #tpu.memory_space<vmem>>, %arg12: memref<16xf32, #tpu.memory_space<vmem>>) attributes {dimension_semantics = [#tpu.dimension_semantics<core_parallel>, #tpu.dimension_semantics<subcore_parallel>], iteration_bounds = array<i64: 2, 16>, scalar_prefetch = 0 : i64, scratch_operands = 6 : i64, tpu.core_type = #tpu.core_type<sc_vector_subcore>, window_params = [{transform_indices = #map}, {transform_indices = #map}, {transform_indices = #map1}, {transform_indices = #map1}, {transform_indices = #map2}]} {
    %mul3A = arith.constant 2 : i32
    %mul3A_0 = arith.muli %arg1, %mul3A : i32
    %add3A = arith.addi %mul3A_0, %arg0 : i32
    %mul3A_1 = arith.constant 16 : i32
    %mul3A_2 = arith.muli %add3A, %mul3A_1 : i32
    "tpu.region"() ({
      %run_scoped3A = tpu.sem_alloc : memref<!tpu.dma_semaphore, #tpu.memory_space<semaphore_mem>>
      %dma_start3A = arith.constant 0 : i32
      %dma_start3A_168 = arith.constant 0 : i32
      %dma_start3A_169 = tpu.memref_slice %arg3[%mul3A_2, %dma_start3A, %dma_start3A_168] : memref<512x64x16xf32, #tpu.memory_space<hbm>> -> memref<16x64x16xf32, #tpu.memory_space<hbm>>
      %dma_start3A_170 = arith.constant 0 : i32
      %dma_start3A_171 = arith.constant 0 : i32
      %dma_start3A_172 = tpu.memref_slice %arg3[%mul3A_2, %dma_start3A_170, %dma_start3A_171] : memref<512x64x16xf32, #tpu.memory_space<hbm>> -> memref<16x64x16xf32, #tpu.memory_space<hbm>>
      tpu.enqueue_dma source(%dma_start3A_172 : memref<16x64x16xf32, #tpu.memory_space<hbm>>) target(%arg7 : memref<16x64x16xf32, #tpu.memory_space<vmem>>) target_semaphore(%run_scoped3A : memref<!tpu.dma_semaphore, #tpu.memory_space<semaphore_mem>>)
      %dma_wait3A = arith.constant 0 : i32
      %dma_wait3A_173 = arith.constant 0 : i32
      %dma_wait3A_174 = tpu.memref_slice %arg3[%mul3A_2, %dma_wait3A, %dma_wait3A_173] : memref<512x64x16xf32, #tpu.memory_space<hbm>> -> memref<16x64x16xf32, #tpu.memory_space<hbm>>
      %dma_wait3A_175 = arith.constant 0 : i32
      %dma_wait3A_176 = arith.constant 0 : i32
      %dma_wait3A_177 = tpu.memref_slice %arg3[%mul3A_2, %dma_wait3A_175, %dma_wait3A_176] : memref<512x64x16xf32, #tpu.memory_space<hbm>> -> memref<16x64x16xf32, #tpu.memory_space<hbm>>
      tpu.wait_dma2 semaphore(%run_scoped3A : memref<!tpu.dma_semaphore, #tpu.memory_space<semaphore_mem>>) src(%dma_wait3A_177 : memref<16x64x16xf32, #tpu.memory_space<hbm>>) dst(%arg7 : memref<16x64x16xf32, #tpu.memory_space<vmem>>)
      tpu.yield
    }) : () -> ()
    "tpu.region"() ({
      %run_scoped3A = tpu.sem_alloc : memref<!tpu.dma_semaphore, #tpu.memory_space<semaphore_mem>>
      %dma_start3A = arith.constant 0 : i32
      %dma_start3A_168 = arith.constant 0 : i32
      %dma_start3A_169 = tpu.memref_slice %arg2[%mul3A_2, %dma_start3A, %dma_start3A_168] : memref<512x80x2xf32, #tpu.memory_space<hbm>> -> memref<16x80x2xf32, #tpu.memory_space<hbm>>
      %dma_start3A_170 = arith.constant 0 : i32
      %dma_start3A_171 = arith.constant 0 : i32
      %dma_start3A_172 = tpu.memref_slice %arg2[%mul3A_2, %dma_start3A_170, %dma_start3A_171] : memref<512x80x2xf32, #tpu.memory_space<hbm>> -> memref<16x80x2xf32, #tpu.memory_space<hbm>>
      tpu.enqueue_dma source(%dma_start3A_172 : memref<16x80x2xf32, #tpu.memory_space<hbm>>) target(%arg8 : memref<16x80x2xf32, #tpu.memory_space<vmem>>) target_semaphore(%run_scoped3A : memref<!tpu.dma_semaphore, #tpu.memory_space<semaphore_mem>>)
      %dma_wait3A = arith.constant 0 : i32
      %dma_wait3A_173 = arith.constant 0 : i32
      %dma_wait3A_174 = tpu.memref_slice %arg2[%mul3A_2, %dma_wait3A, %dma_wait3A_173] : memref<512x80x2xf32, #tpu.memory_space<hbm>> -> memref<16x80x2xf32, #tpu.memory_space<hbm>>
      %dma_wait3A_175 = arith.constant 0 : i32
      %dma_wait3A_176 = arith.constant 0 : i32
      %dma_wait3A_177 = tpu.memref_slice %arg2[%mul3A_2, %dma_wait3A_175, %dma_wait3A_176] : memref<512x80x2xf32, #tpu.memory_space<hbm>> -> memref<16x80x2xf32, #tpu.memory_space<hbm>>
      tpu.wait_dma2 semaphore(%run_scoped3A : memref<!tpu.dma_semaphore, #tpu.memory_space<semaphore_mem>>) src(%dma_wait3A_177 : memref<16x80x2xf32, #tpu.memory_space<hbm>>) dst(%arg8 : memref<16x80x2xf32, #tpu.memory_space<vmem>>)
      tpu.yield
    }) : () -> ()
    "tpu.region"() ({
      %run_scoped3A = tpu.sem_alloc : memref<!tpu.dma_semaphore, #tpu.memory_space<semaphore_mem>>
      %dma_start3A = arith.constant 0 : i32
      %dma_start3A_168 = tpu.memref_slice %arg4[%mul3A_2, %dma_start3A] : memref<512x16xf32, #tpu.memory_space<hbm>> -> memref<16x16xf32, #tpu.memory_space<hbm>>
      %dma_start3A_169 = arith.constant 0 : i32
      %dma_start3A_170 = tpu.memref_slice %arg4[%mul3A_2, %dma_start3A_169] : memref<512x16xf32, #tpu.memory_space<hbm>> -> memref<16x16xf32, #tpu.memory_space<hbm>>
      tpu.enqueue_dma source(%dma_start3A_170 : memref<16x16xf32, #tpu.memory_space<hbm>>) target(%arg9 : memref<16x16xf32, #tpu.memory_space<vmem>>) target_semaphore(%run_scoped3A : memref<!tpu.dma_semaphore, #tpu.memory_space<semaphore_mem>>)
      %dma_wait3A = arith.constant 0 : i32
      %dma_wait3A_171 = tpu.memref_slice %arg4[%mul3A_2, %dma_wait3A] : memref<512x16xf32, #tpu.memory_space<hbm>> -> memref<16x16xf32, #tpu.memory_space<hbm>>
      %dma_wait3A_172 = arith.constant 0 : i32
      %dma_wait3A_173 = tpu.memref_slice %arg4[%mul3A_2, %dma_wait3A_172] : memref<512x16xf32, #tpu.memory_space<hbm>> -> memref<16x16xf32, #tpu.memory_space<hbm>>
      tpu.wait_dma2 semaphore(%run_scoped3A : memref<!tpu.dma_semaphore, #tpu.memory_space<semaphore_mem>>) src(%dma_wait3A_173 : memref<16x16xf32, #tpu.memory_space<hbm>>) dst(%arg9 : memref<16x16xf32, #tpu.memory_space<vmem>>)
      tpu.yield
    }) : () -> ()
    %iota3A = tpu.iota {dimensions = array<i32: 0>} : vector<16xi32>
    %broadcast_in_dim3A = arith.constant 0.000000e+00 : f32
    %broadcast_in_dim3A_3 = vector.broadcast %broadcast_in_dim3A : f32 to vector<16xf32>
    %broadcast_in_dim3A_4 = arith.constant 1.000000e+00 : f32
    %broadcast_in_dim3A_5 = vector.broadcast %broadcast_in_dim3A_4 : f32 to vector<16xf32>
    %broadcast_in_dim3A_6 = arith.constant 0 : i32
    %broadcast_in_dim3A_7 = vector.broadcast %broadcast_in_dim3A_6 : i32 to vector<16xi32>
    %broadcast_in_dim3A_8 = arith.constant 1 : i32
    %broadcast_in_dim3A_9 = vector.broadcast %broadcast_in_dim3A_8 : i32 to vector<16xi32>
    %swap3A = arith.constant 0 : i32
    %swap3A_10 = arith.index_cast %swap3A : i32 to index
    %swap3A_11 = arith.constant 0 : index
    %swap3A_12 = tpu.vector_load %arg10[%swap3A_10, %swap3A_11] {strides = array<i32>} : memref<16x16xf32, #tpu.memory_space<vmem>>, vector<16xf32>,
    tpu.vector_store %arg10[%swap3A_10, %swap3A_11], %broadcast_in_dim3A_3 {strides = array<i32>} : memref<16x16xf32, #tpu.memory_space<vmem>>, vector<16xf32>,
    %swap3A_13 = arith.constant 1 : i32
    %swap3A_14 = arith.index_cast %swap3A_13 : i32 to index
    %swap3A_15 = arith.constant 0 : index
    %swap3A_16 = tpu.vector_load %arg10[%swap3A_14, %swap3A_15] {strides = array<i32>} : memref<16x16xf32, #tpu.memory_space<vmem>>, vector<16xf32>,
    tpu.vector_store %arg10[%swap3A_14, %swap3A_15], %broadcast_in_dim3A_3 {strides = array<i32>} : memref<16x16xf32, #tpu.memory_space<vmem>>, vector<16xf32>,
    %swap3A_17 = arith.constant 2 : i32
    %swap3A_18 = arith.index_cast %swap3A_17 : i32 to index
    %swap3A_19 = arith.constant 0 : index
    %swap3A_20 = tpu.vector_load %arg10[%swap3A_18, %swap3A_19] {strides = array<i32>} : memref<16x16xf32, #tpu.memory_space<vmem>>, vector<16xf32>,
    tpu.vector_store %arg10[%swap3A_18, %swap3A_19], %broadcast_in_dim3A_3 {strides = array<i32>} : memref<16x16xf32, #tpu.memory_space<vmem>>, vector<16xf32>,
    %swap3A_21 = arith.constant 3 : i32
    %swap3A_22 = arith.index_cast %swap3A_21 : i32 to index
    %swap3A_23 = arith.constant 0 : index
    %swap3A_24 = tpu.vector_load %arg10[%swap3A_22, %swap3A_23] {strides = array<i32>} : memref<16x16xf32, #tpu.memory_space<vmem>>, vector<16xf32>,
    tpu.vector_store %arg10[%swap3A_22, %swap3A_23], %broadcast_in_dim3A_3 {strides = array<i32>} : memref<16x16xf32, #tpu.memory_space<vmem>>, vector<16xf32>,
    %swap3A_25 = arith.constant 4 : i32
    %swap3A_26 = arith.index_cast %swap3A_25 : i32 to index
    %swap3A_27 = arith.constant 0 : index
    %swap3A_28 = tpu.vector_load %arg10[%swap3A_26, %swap3A_27] {strides = array<i32>} : memref<16x16xf32, #tpu.memory_space<vmem>>, vector<16xf32>,
    tpu.vector_store %arg10[%swap3A_26, %swap3A_27], %broadcast_in_dim3A_3 {strides = array<i32>} : memref<16x16xf32, #tpu.memory_space<vmem>>, vector<16xf32>,
    %swap3A_29 = arith.constant 5 : i32
    %swap3A_30 = arith.index_cast %swap3A_29 : i32 to index
    %swap3A_31 = arith.constant 0 : index
    %swap3A_32 = tpu.vector_load %arg10[%swap3A_30, %swap3A_31] {strides = array<i32>} : memref<16x16xf32, #tpu.memory_space<vmem>>, vector<16xf32>,
    tpu.vector_store %arg10[%swap3A_30, %swap3A_31], %broadcast_in_dim3A_3 {strides = array<i32>} : memref<16x16xf32, #tpu.memory_space<vmem>>, vector<16xf32>,
    %swap3A_33 = arith.constant 6 : i32
    %swap3A_34 = arith.index_cast %swap3A_33 : i32 to index
    %swap3A_35 = arith.constant 0 : index
    %swap3A_36 = tpu.vector_load %arg10[%swap3A_34, %swap3A_35] {strides = array<i32>} : memref<16x16xf32, #tpu.memory_space<vmem>>, vector<16xf32>,
    tpu.vector_store %arg10[%swap3A_34, %swap3A_35], %broadcast_in_dim3A_3 {strides = array<i32>} : memref<16x16xf32, #tpu.memory_space<vmem>>, vector<16xf32>,
    %swap3A_37 = arith.constant 7 : i32
    %swap3A_38 = arith.index_cast %swap3A_37 : i32 to index
    %swap3A_39 = arith.constant 0 : index
    %swap3A_40 = tpu.vector_load %arg10[%swap3A_38, %swap3A_39] {strides = array<i32>} : memref<16x16xf32, #tpu.memory_space<vmem>>, vector<16xf32>,
    tpu.vector_store %arg10[%swap3A_38, %swap3A_39], %broadcast_in_dim3A_3 {strides = array<i32>} : memref<16x16xf32, #tpu.memory_space<vmem>>, vector<16xf32>,
    %swap3A_41 = arith.constant 8 : i32
    %swap3A_42 = arith.index_cast %swap3A_41 : i32 to index
    %swap3A_43 = arith.constant 0 : index
    %swap3A_44 = tpu.vector_load %arg10[%swap3A_42, %swap3A_43] {strides = array<i32>} : memref<16x16xf32, #tpu.memory_space<vmem>>, vector<16xf32>,
    tpu.vector_store %arg10[%swap3A_42, %swap3A_43], %broadcast_in_dim3A_3 {strides = array<i32>} : memref<16x16xf32, #tpu.memory_space<vmem>>, vector<16xf32>,
    %swap3A_45 = arith.constant 9 : i32
    %swap3A_46 = arith.index_cast %swap3A_45 : i32 to index
    %swap3A_47 = arith.constant 0 : index
    %swap3A_48 = tpu.vector_load %arg10[%swap3A_46, %swap3A_47] {strides = array<i32>} : memref<16x16xf32, #tpu.memory_space<vmem>>, vector<16xf32>,
    tpu.vector_store %arg10[%swap3A_46, %swap3A_47], %broadcast_in_dim3A_3 {strides = array<i32>} : memref<16x16xf32, #tpu.memory_space<vmem>>, vector<16xf32>,
    %swap3A_49 = arith.constant 10 : i32
    %swap3A_50 = arith.index_cast %swap3A_49 : i32 to index
    %swap3A_51 = arith.constant 0 : index
    %swap3A_52 = tpu.vector_load %arg10[%swap3A_50, %swap3A_51] {strides = array<i32>} : memref<16x16xf32, #tpu.memory_space<vmem>>, vector<16xf32>,
    tpu.vector_store %arg10[%swap3A_50, %swap3A_51], %broadcast_in_dim3A_3 {strides = array<i32>} : memref<16x16xf32, #tpu.memory_space<vmem>>, vector<16xf32>,
    %swap3A_53 = arith.constant 11 : i32
    %swap3A_54 = arith.index_cast %swap3A_53 : i32 to index
    %swap3A_55 = arith.constant 0 : index
    %swap3A_56 = tpu.vector_load %arg10[%swap3A_54, %swap3A_55] {strides = array<i32>} : memref<16x16xf32, #tpu.memory_space<vmem>>, vector<16xf32>,
    tpu.vector_store %arg10[%swap3A_54, %swap3A_55], %broadcast_in_dim3A_3 {strides = array<i32>} : memref<16x16xf32, #tpu.memory_space<vmem>>, vector<16xf32>,
    %swap3A_57 = arith.constant 12 : i32
    %swap3A_58 = arith.index_cast %swap3A_57 : i32 to index
    %swap3A_59 = arith.constant 0 : index
    %swap3A_60 = tpu.vector_load %arg10[%swap3A_58, %swap3A_59] {strides = array<i32>} : memref<16x16xf32, #tpu.memory_space<vmem>>, vector<16xf32>,
    tpu.vector_store %arg10[%swap3A_58, %swap3A_59], %broadcast_in_dim3A_3 {strides = array<i32>} : memref<16x16xf32, #tpu.memory_space<vmem>>, vector<16xf32>,
    %swap3A_61 = arith.constant 13 : i32
    %swap3A_62 = arith.index_cast %swap3A_61 : i32 to index
    %swap3A_63 = arith.constant 0 : index
    %swap3A_64 = tpu.vector_load %arg10[%swap3A_62, %swap3A_63] {strides = array<i32>} : memref<16x16xf32, #tpu.memory_space<vmem>>, vector<16xf32>,
    tpu.vector_store %arg10[%swap3A_62, %swap3A_63], %broadcast_in_dim3A_3 {strides = array<i32>} : memref<16x16xf32, #tpu.memory_space<vmem>>, vector<16xf32>,
    %swap3A_65 = arith.constant 14 : i32
    %swap3A_66 = arith.index_cast %swap3A_65 : i32 to index
    %swap3A_67 = arith.constant 0 : index
    %swap3A_68 = tpu.vector_load %arg10[%swap3A_66, %swap3A_67] {strides = array<i32>} : memref<16x16xf32, #tpu.memory_space<vmem>>, vector<16xf32>,
    tpu.vector_store %arg10[%swap3A_66, %swap3A_67], %broadcast_in_dim3A_3 {strides = array<i32>} : memref<16x16xf32, #tpu.memory_space<vmem>>, vector<16xf32>,
    %swap3A_69 = arith.constant 15 : i32
    %swap3A_70 = arith.index_cast %swap3A_69 : i32 to index
    %swap3A_71 = arith.constant 0 : index
    %swap3A_72 = tpu.vector_load %arg10[%swap3A_70, %swap3A_71] {strides = array<i32>} : memref<16x16xf32, #tpu.memory_space<vmem>>, vector<16xf32>,
    tpu.vector_store %arg10[%swap3A_70, %swap3A_71], %broadcast_in_dim3A_3 {strides = array<i32>} : memref<16x16xf32, #tpu.memory_space<vmem>>, vector<16xf32>,
    %scan3A = arith.constant 0 : i32
    %scan3A_73 = arith.constant 64 : i32
    %scan3A_74 = arith.addi %scan3A, %scan3A_73 : i32
    %scan3A_75 = arith.constant 1 : i32
    %scan3A_76 = scf.for %scan3A_168 = %scan3A to %scan3A_74 step %scan3A_75 iter_args(%scan3A_169 = %broadcast_in_dim3A_3) -> (vector<16xf32>)  : i32 {
      %broadcast_in_dim3A_170 = vector.broadcast %scan3A_168 : i32 to vector<16xi32>
      %broadcast_in_dim3A_171 = arith.constant 0xFF800000 : f32
      %broadcast_in_dim3A_172 = vector.broadcast %broadcast_in_dim3A_171 : f32 to vector<16xf32>
      %broadcast_in_dim3A_173 = arith.constant 0 : i32
      %broadcast_in_dim3A_174 = vector.broadcast %broadcast_in_dim3A_173 : i32 to vector<16xi32>
      %gather3A_175 = tpu.vector_load_idx %arg7[%iota3A, %broadcast_in_dim3A_170, %broadcast_in_dim3A_174] : memref<16x64x16xf32, #tpu.memory_space<vmem>>[vector<16xi32>, vector<16xi32>, vector<16xi32>], vector<16xf32>,
      %gt3A = arith.cmpf ogt, %gather3A_175, %broadcast_in_dim3A_172 : vector<16xf32>
      %select_n3A = arith.select %gt3A, %gather3A_175, %broadcast_in_dim3A_172 : vector<16xi1>, vector<16xf32>
      %broadcast_in_dim3A_176 = arith.constant 0 : i32
      %broadcast_in_dim3A_177 = vector.broadcast %broadcast_in_dim3A_176 : i32 to vector<16xi32>
      %select_n3A_178 = arith.select %gt3A, %broadcast_in_dim3A_177, %broadcast_in_dim3A_7 : vector<16xi1>, vector<16xi32>
      %broadcast_in_dim3A_179 = arith.constant 1 : i32
      %broadcast_in_dim3A_180 = vector.broadcast %broadcast_in_dim3A_179 : i32 to vector<16xi32>
      %gather3A_181 = tpu.vector_load_idx %arg7[%iota3A, %broadcast_in_dim3A_170, %broadcast_in_dim3A_180] : memref<16x64x16xf32, #tpu.memory_space<vmem>>[vector<16xi32>, vector<16xi32>, vector<16xi32>], vector<16xf32>,
      %gt3A_182 = arith.cmpf ogt, %gather3A_181, %select_n3A : vector<16xf32>
      %select_n3A_183 = arith.select %gt3A_182, %gather3A_181, %select_n3A : vector<16xi1>, vector<16xf32>
      %broadcast_in_dim3A_184 = arith.constant 1 : i32
      %broadcast_in_dim3A_185 = vector.broadcast %broadcast_in_dim3A_184 : i32 to vector<16xi32>
      %select_n3A_186 = arith.select %gt3A_182, %broadcast_in_dim3A_185, %select_n3A_178 : vector<16xi1>, vector<16xi32>
      %broadcast_in_dim3A_187 = arith.constant 2 : i32
      %broadcast_in_dim3A_188 = vector.broadcast %broadcast_in_dim3A_187 : i32 to vector<16xi32>
      %gather3A_189 = tpu.vector_load_idx %arg7[%iota3A, %broadcast_in_dim3A_170, %broadcast_in_dim3A_188] : memref<16x64x16xf32, #tpu.memory_space<vmem>>[vector<16xi32>, vector<16xi32>, vector<16xi32>], vector<16xf32>,
      %gt3A_190 = arith.cmpf ogt, %gather3A_189, %select_n3A_183 : vector<16xf32>
      %select_n3A_191 = arith.select %gt3A_190, %gather3A_189, %select_n3A_183 : vector<16xi1>, vector<16xf32>
      %broadcast_in_dim3A_192 = arith.constant 2 : i32
      %broadcast_in_dim3A_193 = vector.broadcast %broadcast_in_dim3A_192 : i32 to vector<16xi32>
      %select_n3A_194 = arith.select %gt3A_190, %broadcast_in_dim3A_193, %select_n3A_186 : vector<16xi1>, vector<16xi32>
      %broadcast_in_dim3A_195 = arith.constant 3 : i32
      %broadcast_in_dim3A_196 = vector.broadcast %broadcast_in_dim3A_195 : i32 to vector<16xi32>
      %gather3A_197 = tpu.vector_load_idx %arg7[%iota3A, %broadcast_in_dim3A_170, %broadcast_in_dim3A_196] : memref<16x64x16xf32, #tpu.memory_space<vmem>>[vector<16xi32>, vector<16xi32>, vector<16xi32>], vector<16xf32>,
      %gt3A_198 = arith.cmpf ogt, %gather3A_197, %select_n3A_191 : vector<16xf32>
      %select_n3A_199 = arith.select %gt3A_198, %gather3A_197, %select_n3A_191 : vector<16xi1>, vector<16xf32>
      %broadcast_in_dim3A_200 = arith.constant 3 : i32
      %broadcast_in_dim3A_201 = vector.broadcast %broadcast_in_dim3A_200 : i32 to vector<16xi32>
      %select_n3A_202 = arith.select %gt3A_198, %broadcast_in_dim3A_201, %select_n3A_194 : vector<16xi1>, vector<16xi32>
      %broadcast_in_dim3A_203 = arith.constant 4 : i32
      %broadcast_in_dim3A_204 = vector.broadcast %broadcast_in_dim3A_203 : i32 to vector<16xi32>
      %gather3A_205 = tpu.vector_load_idx %arg7[%iota3A, %broadcast_in_dim3A_170, %broadcast_in_dim3A_204] : memref<16x64x16xf32, #tpu.memory_space<vmem>>[vector<16xi32>, vector<16xi32>, vector<16xi32>], vector<16xf32>,
      %gt3A_206 = arith.cmpf ogt, %gather3A_205, %select_n3A_199 : vector<16xf32>
      %select_n3A_207 = arith.select %gt3A_206, %gather3A_205, %select_n3A_199 : vector<16xi1>, vector<16xf32>
      %broadcast_in_dim3A_208 = arith.constant 4 : i32
      %broadcast_in_dim3A_209 = vector.broadcast %broadcast_in_dim3A_208 : i32 to vector<16xi32>
      %select_n3A_210 = arith.select %gt3A_206, %broadcast_in_dim3A_209, %select_n3A_202 : vector<16xi1>, vector<16xi32>
      %broadcast_in_dim3A_211 = arith.constant 5 : i32
      %broadcast_in_dim3A_212 = vector.broadcast %broadcast_in_dim3A_211 : i32 to vector<16xi32>
      %gather3A_213 = tpu.vector_load_idx %arg7[%iota3A, %broadcast_in_dim3A_170, %broadcast_in_dim3A_212] : memref<16x64x16xf32, #tpu.memory_space<vmem>>[vector<16xi32>, vector<16xi32>, vector<16xi32>], vector<16xf32>,
      %gt3A_214 = arith.cmpf ogt, %gather3A_213, %select_n3A_207 : vector<16xf32>
      %select_n3A_215 = arith.select %gt3A_214, %gather3A_213, %select_n3A_207 : vector<16xi1>, vector<16xf32>
      %broadcast_in_dim3A_216 = arith.constant 5 : i32
      %broadcast_in_dim3A_217 = vector.broadcast %broadcast_in_dim3A_216 : i32 to vector<16xi32>
      %select_n3A_218 = arith.select %gt3A_214, %broadcast_in_dim3A_217, %select_n3A_210 : vector<16xi1>, vector<16xi32>
      %broadcast_in_dim3A_219 = arith.constant 6 : i32
      %broadcast_in_dim3A_220 = vector.broadcast %broadcast_in_dim3A_219 : i32 to vector<16xi32>
      %gather3A_221 = tpu.vector_load_idx %arg7[%iota3A, %broadcast_in_dim3A_170, %broadcast_in_dim3A_220] : memref<16x64x16xf32, #tpu.memory_space<vmem>>[vector<16xi32>, vector<16xi32>, vector<16xi32>], vector<16xf32>,
      %gt3A_222 = arith.cmpf ogt, %gather3A_221, %select_n3A_215 : vector<16xf32>
      %select_n3A_223 = arith.select %gt3A_222, %gather3A_221, %select_n3A_215 : vector<16xi1>, vector<16xf32>
      %broadcast_in_dim3A_224 = arith.constant 6 : i32
      %broadcast_in_dim3A_225 = vector.broadcast %broadcast_in_dim3A_224 : i32 to vector<16xi32>
      %select_n3A_226 = arith.select %gt3A_222, %broadcast_in_dim3A_225, %select_n3A_218 : vector<16xi1>, vector<16xi32>
      %broadcast_in_dim3A_227 = arith.constant 7 : i32
      %broadcast_in_dim3A_228 = vector.broadcast %broadcast_in_dim3A_227 : i32 to vector<16xi32>
      %gather3A_229 = tpu.vector_load_idx %arg7[%iota3A, %broadcast_in_dim3A_170, %broadcast_in_dim3A_228] : memref<16x64x16xf32, #tpu.memory_space<vmem>>[vector<16xi32>, vector<16xi32>, vector<16xi32>], vector<16xf32>,
      %gt3A_230 = arith.cmpf ogt, %gather3A_229, %select_n3A_223 : vector<16xf32>
      %select_n3A_231 = arith.select %gt3A_230, %gather3A_229, %select_n3A_223 : vector<16xi1>, vector<16xf32>
      %broadcast_in_dim3A_232 = arith.constant 7 : i32
      %broadcast_in_dim3A_233 = vector.broadcast %broadcast_in_dim3A_232 : i32 to vector<16xi32>
      %select_n3A_234 = arith.select %gt3A_230, %broadcast_in_dim3A_233, %select_n3A_226 : vector<16xi1>, vector<16xi32>
      %broadcast_in_dim3A_235 = arith.constant 8 : i32
      %broadcast_in_dim3A_236 = vector.broadcast %broadcast_in_dim3A_235 : i32 to vector<16xi32>
      %gather3A_237 = tpu.vector_load_idx %arg7[%iota3A, %broadcast_in_dim3A_170, %broadcast_in_dim3A_236] : memref<16x64x16xf32, #tpu.memory_space<vmem>>[vector<16xi32>, vector<16xi32>, vector<16xi32>], vector<16xf32>,
      %gt3A_238 = arith.cmpf ogt, %gather3A_237, %select_n3A_231 : vector<16xf32>
      %select_n3A_239 = arith.select %gt3A_238, %gather3A_237, %select_n3A_231 : vector<16xi1>, vector<16xf32>
      %broadcast_in_dim3A_240 = arith.constant 8 : i32
      %broadcast_in_dim3A_241 = vector.broadcast %broadcast_in_dim3A_240 : i32 to vector<16xi32>
      %select_n3A_242 = arith.select %gt3A_238, %broadcast_in_dim3A_241, %select_n3A_234 : vector<16xi1>, vector<16xi32>
      %broadcast_in_dim3A_243 = arith.constant 9 : i32
      %broadcast_in_dim3A_244 = vector.broadcast %broadcast_in_dim3A_243 : i32 to vector<16xi32>
      %gather3A_245 = tpu.vector_load_idx %arg7[%iota3A, %broadcast_in_dim3A_170, %broadcast_in_dim3A_244] : memref<16x64x16xf32, #tpu.memory_space<vmem>>[vector<16xi32>, vector<16xi32>, vector<16xi32>], vector<16xf32>,
      %gt3A_246 = arith.cmpf ogt, %gather3A_245, %select_n3A_239 : vector<16xf32>
      %select_n3A_247 = arith.select %gt3A_246, %gather3A_245, %select_n3A_239 : vector<16xi1>, vector<16xf32>
      %broadcast_in_dim3A_248 = arith.constant 9 : i32
      %broadcast_in_dim3A_249 = vector.broadcast %broadcast_in_dim3A_248 : i32 to vector<16xi32>
      %select_n3A_250 = arith.select %gt3A_246, %broadcast_in_dim3A_249, %select_n3A_242 : vector<16xi1>, vector<16xi32>
      %broadcast_in_dim3A_251 = arith.constant 10 : i32
      %broadcast_in_dim3A_252 = vector.broadcast %broadcast_in_dim3A_251 : i32 to vector<16xi32>
      %gather3A_253 = tpu.vector_load_idx %arg7[%iota3A, %broadcast_in_dim3A_170, %broadcast_in_dim3A_252] : memref<16x64x16xf32, #tpu.memory_space<vmem>>[vector<16xi32>, vector<16xi32>, vector<16xi32>], vector<16xf32>,
      %gt3A_254 = arith.cmpf ogt, %gather3A_253, %select_n3A_247 : vector<16xf32>
      %select_n3A_255 = arith.select %gt3A_254, %gather3A_253, %select_n3A_247 : vector<16xi1>, vector<16xf32>
      %broadcast_in_dim3A_256 = arith.constant 10 : i32
      %broadcast_in_dim3A_257 = vector.broadcast %broadcast_in_dim3A_256 : i32 to vector<16xi32>
      %select_n3A_258 = arith.select %gt3A_254, %broadcast_in_dim3A_257, %select_n3A_250 : vector<16xi1>, vector<16xi32>
      %broadcast_in_dim3A_259 = arith.constant 11 : i32
      %broadcast_in_dim3A_260 = vector.broadcast %broadcast_in_dim3A_259 : i32 to vector<16xi32>
      %gather3A_261 = tpu.vector_load_idx %arg7[%iota3A, %broadcast_in_dim3A_170, %broadcast_in_dim3A_260] : memref<16x64x16xf32, #tpu.memory_space<vmem>>[vector<16xi32>, vector<16xi32>, vector<16xi32>], vector<16xf32>,
      %gt3A_262 = arith.cmpf ogt, %gather3A_261, %select_n3A_255 : vector<16xf32>
      %select_n3A_263 = arith.select %gt3A_262, %gather3A_261, %select_n3A_255 : vector<16xi1>, vector<16xf32>
      %broadcast_in_dim3A_264 = arith.constant 11 : i32
      %broadcast_in_dim3A_265 = vector.broadcast %broadcast_in_dim3A_264 : i32 to vector<16xi32>
      %select_n3A_266 = arith.select %gt3A_262, %broadcast_in_dim3A_265, %select_n3A_258 : vector<16xi1>, vector<16xi32>
      %broadcast_in_dim3A_267 = arith.constant 12 : i32
      %broadcast_in_dim3A_268 = vector.broadcast %broadcast_in_dim3A_267 : i32 to vector<16xi32>
      %gather3A_269 = tpu.vector_load_idx %arg7[%iota3A, %broadcast_in_dim3A_170, %broadcast_in_dim3A_268] : memref<16x64x16xf32, #tpu.memory_space<vmem>>[vector<16xi32>, vector<16xi32>, vector<16xi32>], vector<16xf32>,
      %gt3A_270 = arith.cmpf ogt, %gather3A_269, %select_n3A_263 : vector<16xf32>
      %select_n3A_271 = arith.select %gt3A_270, %gather3A_269, %select_n3A_263 : vector<16xi1>, vector<16xf32>
      %broadcast_in_dim3A_272 = arith.constant 12 : i32
      %broadcast_in_dim3A_273 = vector.broadcast %broadcast_in_dim3A_272 : i32 to vector<16xi32>
      %select_n3A_274 = arith.select %gt3A_270, %broadcast_in_dim3A_273, %select_n3A_266 : vector<16xi1>, vector<16xi32>
      %broadcast_in_dim3A_275 = arith.constant 13 : i32
      %broadcast_in_dim3A_276 = vector.broadcast %broadcast_in_dim3A_275 : i32 to vector<16xi32>
      %gather3A_277 = tpu.vector_load_idx %arg7[%iota3A, %broadcast_in_dim3A_170, %broadcast_in_dim3A_276] : memref<16x64x16xf32, #tpu.memory_space<vmem>>[vector<16xi32>, vector<16xi32>, vector<16xi32>], vector<16xf32>,
      %gt3A_278 = arith.cmpf ogt, %gather3A_277, %select_n3A_271 : vector<16xf32>
      %select_n3A_279 = arith.select %gt3A_278, %gather3A_277, %select_n3A_271 : vector<16xi1>, vector<16xf32>
      %broadcast_in_dim3A_280 = arith.constant 13 : i32
      %broadcast_in_dim3A_281 = vector.broadcast %broadcast_in_dim3A_280 : i32 to vector<16xi32>
      %select_n3A_282 = arith.select %gt3A_278, %broadcast_in_dim3A_281, %select_n3A_274 : vector<16xi1>, vector<16xi32>
      %broadcast_in_dim3A_283 = arith.constant 14 : i32
      %broadcast_in_dim3A_284 = vector.broadcast %broadcast_in_dim3A_283 : i32 to vector<16xi32>
      %gather3A_285 = tpu.vector_load_idx %arg7[%iota3A, %broadcast_in_dim3A_170, %broadcast_in_dim3A_284] : memref<16x64x16xf32, #tpu.memory_space<vmem>>[vector<16xi32>, vector<16xi32>, vector<16xi32>], vector<16xf32>,
      %gt3A_286 = arith.cmpf ogt, %gather3A_285, %select_n3A_279 : vector<16xf32>
      %select_n3A_287 = arith.select %gt3A_286, %gather3A_285, %select_n3A_279 : vector<16xi1>, vector<16xf32>
      %broadcast_in_dim3A_288 = arith.constant 14 : i32
      %broadcast_in_dim3A_289 = vector.broadcast %broadcast_in_dim3A_288 : i32 to vector<16xi32>
      %select_n3A_290 = arith.select %gt3A_286, %broadcast_in_dim3A_289, %select_n3A_282 : vector<16xi1>, vector<16xi32>
      %broadcast_in_dim3A_291 = arith.constant 15 : i32
      %broadcast_in_dim3A_292 = vector.broadcast %broadcast_in_dim3A_291 : i32 to vector<16xi32>
      %gather3A_293 = tpu.vector_load_idx %arg7[%iota3A, %broadcast_in_dim3A_170, %broadcast_in_dim3A_292] : memref<16x64x16xf32, #tpu.memory_space<vmem>>[vector<16xi32>, vector<16xi32>, vector<16xi32>], vector<16xf32>,
      %gt3A_294 = arith.cmpf ogt, %gather3A_293, %select_n3A_287 : vector<16xf32>
      %select_n3A_295 = arith.select %gt3A_294, %gather3A_293, %select_n3A_287 : vector<16xi1>, vector<16xf32>
      %broadcast_in_dim3A_296 = arith.constant 15 : i32
      %broadcast_in_dim3A_297 = vector.broadcast %broadcast_in_dim3A_296 : i32 to vector<16xi32>
      %select_n3A_298 = arith.select %gt3A_294, %broadcast_in_dim3A_297, %select_n3A_290 : vector<16xi1>, vector<16xi32>
      %gather3A_299 = tpu.vector_load_idx %arg9[%iota3A, %select_n3A_298] : memref<16x16xf32, #tpu.memory_space<vmem>>[vector<16xi32>, vector<16xi32>], vector<16xf32>,
      tpu.vector_store_idx %arg10[%iota3A, %select_n3A_298], %broadcast_in_dim3A_5 {add = true} : memref<16x16xf32, #tpu.memory_space<vmem>>[vector<16xi32>, vector<16xi32>], vector<16xf32>,
      %add3A_300 = arith.addf %scan3A_169, %gather3A_299 : vector<16xf32>
      scf.yield %add3A_300 : vector<16xf32>
    }
    %scan3A_77 = arith.constant 64 : i32
    %broadcast_in_dim3A_78 = arith.constant 0 : i32
    %broadcast_in_dim3A_79 = vector.broadcast %broadcast_in_dim3A_78 : i32 to vector<16xi32>
    %gather3A = tpu.vector_load_idx %arg10[%iota3A, %broadcast_in_dim3A_79] : memref<16x16xf32, #tpu.memory_space<vmem>>[vector<16xi32>, vector<16xi32>], vector<16xf32>,
    %max3A = arith.maximumf %broadcast_in_dim3A_3, %gather3A : vector<16xf32>
    %broadcast_in_dim3A_80 = arith.constant 1 : i32
    %broadcast_in_dim3A_81 = vector.broadcast %broadcast_in_dim3A_80 : i32 to vector<16xi32>
    %gather3A_82 = tpu.vector_load_idx %arg10[%iota3A, %broadcast_in_dim3A_81] : memref<16x16xf32, #tpu.memory_space<vmem>>[vector<16xi32>, vector<16xi32>], vector<16xf32>,
    %max3A_83 = arith.maximumf %max3A, %gather3A_82 : vector<16xf32>
    %broadcast_in_dim3A_84 = arith.constant 2 : i32
    %broadcast_in_dim3A_85 = vector.broadcast %broadcast_in_dim3A_84 : i32 to vector<16xi32>
    %gather3A_86 = tpu.vector_load_idx %arg10[%iota3A, %broadcast_in_dim3A_85] : memref<16x16xf32, #tpu.memory_space<vmem>>[vector<16xi32>, vector<16xi32>], vector<16xf32>,
    %max3A_87 = arith.maximumf %max3A_83, %gather3A_86 : vector<16xf32>
    %broadcast_in_dim3A_88 = arith.constant 3 : i32
    %broadcast_in_dim3A_89 = vector.broadcast %broadcast_in_dim3A_88 : i32 to vector<16xi32>
    %gather3A_90 = tpu.vector_load_idx %arg10[%iota3A, %broadcast_in_dim3A_89] : memref<16x16xf32, #tpu.memory_space<vmem>>[vector<16xi32>, vector<16xi32>], vector<16xf32>,
    %max3A_91 = arith.maximumf %max3A_87, %gather3A_90 : vector<16xf32>
    %broadcast_in_dim3A_92 = arith.constant 4 : i32
    %broadcast_in_dim3A_93 = vector.broadcast %broadcast_in_dim3A_92 : i32 to vector<16xi32>
    %gather3A_94 = tpu.vector_load_idx %arg10[%iota3A, %broadcast_in_dim3A_93] : memref<16x16xf32, #tpu.memory_space<vmem>>[vector<16xi32>, vector<16xi32>], vector<16xf32>,
    %max3A_95 = arith.maximumf %max3A_91, %gather3A_94 : vector<16xf32>
    %broadcast_in_dim3A_96 = arith.constant 5 : i32
    %broadcast_in_dim3A_97 = vector.broadcast %broadcast_in_dim3A_96 : i32 to vector<16xi32>
    %gather3A_98 = tpu.vector_load_idx %arg10[%iota3A, %broadcast_in_dim3A_97] : memref<16x16xf32, #tpu.memory_space<vmem>>[vector<16xi32>, vector<16xi32>], vector<16xf32>,
    %max3A_99 = arith.maximumf %max3A_95, %gather3A_98 : vector<16xf32>
    %broadcast_in_dim3A_100 = arith.constant 6 : i32
    %broadcast_in_dim3A_101 = vector.broadcast %broadcast_in_dim3A_100 : i32 to vector<16xi32>
    %gather3A_102 = tpu.vector_load_idx %arg10[%iota3A, %broadcast_in_dim3A_101] : memref<16x16xf32, #tpu.memory_space<vmem>>[vector<16xi32>, vector<16xi32>], vector<16xf32>,
    %max3A_103 = arith.maximumf %max3A_99, %gather3A_102 : vector<16xf32>
    %broadcast_in_dim3A_104 = arith.constant 7 : i32
    %broadcast_in_dim3A_105 = vector.broadcast %broadcast_in_dim3A_104 : i32 to vector<16xi32>
    %gather3A_106 = tpu.vector_load_idx %arg10[%iota3A, %broadcast_in_dim3A_105] : memref<16x16xf32, #tpu.memory_space<vmem>>[vector<16xi32>, vector<16xi32>], vector<16xf32>,
    %max3A_107 = arith.maximumf %max3A_103, %gather3A_106 : vector<16xf32>
    %broadcast_in_dim3A_108 = arith.constant 8 : i32
    %broadcast_in_dim3A_109 = vector.broadcast %broadcast_in_dim3A_108 : i32 to vector<16xi32>
    %gather3A_110 = tpu.vector_load_idx %arg10[%iota3A, %broadcast_in_dim3A_109] : memref<16x16xf32, #tpu.memory_space<vmem>>[vector<16xi32>, vector<16xi32>], vector<16xf32>,
    %max3A_111 = arith.maximumf %max3A_107, %gather3A_110 : vector<16xf32>
    %broadcast_in_dim3A_112 = arith.constant 9 : i32
    %broadcast_in_dim3A_113 = vector.broadcast %broadcast_in_dim3A_112 : i32 to vector<16xi32>
    %gather3A_114 = tpu.vector_load_idx %arg10[%iota3A, %broadcast_in_dim3A_113] : memref<16x16xf32, #tpu.memory_space<vmem>>[vector<16xi32>, vector<16xi32>], vector<16xf32>,
    %max3A_115 = arith.maximumf %max3A_111, %gather3A_114 : vector<16xf32>
    %broadcast_in_dim3A_116 = arith.constant 10 : i32
    %broadcast_in_dim3A_117 = vector.broadcast %broadcast_in_dim3A_116 : i32 to vector<16xi32>
    %gather3A_118 = tpu.vector_load_idx %arg10[%iota3A, %broadcast_in_dim3A_117] : memref<16x16xf32, #tpu.memory_space<vmem>>[vector<16xi32>, vector<16xi32>], vector<16xf32>,
    %max3A_119 = arith.maximumf %max3A_115, %gather3A_118 : vector<16xf32>
    %broadcast_in_dim3A_120 = arith.constant 11 : i32
    %broadcast_in_dim3A_121 = vector.broadcast %broadcast_in_dim3A_120 : i32 to vector<16xi32>
    %gather3A_122 = tpu.vector_load_idx %arg10[%iota3A, %broadcast_in_dim3A_121] : memref<16x16xf32, #tpu.memory_space<vmem>>[vector<16xi32>, vector<16xi32>], vector<16xf32>,
    %max3A_123 = arith.maximumf %max3A_119, %gather3A_122 : vector<16xf32>
    %broadcast_in_dim3A_124 = arith.constant 12 : i32
    %broadcast_in_dim3A_125 = vector.broadcast %broadcast_in_dim3A_124 : i32 to vector<16xi32>
    %gather3A_126 = tpu.vector_load_idx %arg10[%iota3A, %broadcast_in_dim3A_125] : memref<16x16xf32, #tpu.memory_space<vmem>>[vector<16xi32>, vector<16xi32>], vector<16xf32>,
    %max3A_127 = arith.maximumf %max3A_123, %gather3A_126 : vector<16xf32>
    %broadcast_in_dim3A_128 = arith.constant 13 : i32
    %broadcast_in_dim3A_129 = vector.broadcast %broadcast_in_dim3A_128 : i32 to vector<16xi32>
    %gather3A_130 = tpu.vector_load_idx %arg10[%iota3A, %broadcast_in_dim3A_129] : memref<16x16xf32, #tpu.memory_space<vmem>>[vector<16xi32>, vector<16xi32>], vector<16xf32>,
    %max3A_131 = arith.maximumf %max3A_127, %gather3A_130 : vector<16xf32>
    %broadcast_in_dim3A_132 = arith.constant 14 : i32
    %broadcast_in_dim3A_133 = vector.broadcast %broadcast_in_dim3A_132 : i32 to vector<16xi32>
    %gather3A_134 = tpu.vector_load_idx %arg10[%iota3A, %broadcast_in_dim3A_133] : memref<16x16xf32, #tpu.memory_space<vmem>>[vector<16xi32>, vector<16xi32>], vector<16xf32>,
    %max3A_135 = arith.maximumf %max3A_131, %gather3A_134 : vector<16xf32>
    %broadcast_in_dim3A_136 = arith.constant 15 : i32
    %broadcast_in_dim3A_137 = vector.broadcast %broadcast_in_dim3A_136 : i32 to vector<16xi32>
    %gather3A_138 = tpu.vector_load_idx %arg10[%iota3A, %broadcast_in_dim3A_137] : memref<16x16xf32, #tpu.memory_space<vmem>>[vector<16xi32>, vector<16xi32>], vector<16xf32>,
    %max3A_139 = arith.maximumf %max3A_135, %gather3A_138 : vector<16xf32>
    %mul3A_140 = arith.constant 1.562500e-02 : f32
    %mul3A_141 = vector.broadcast %mul3A_140 : f32 to vector<16xf32>
    %mul3A_142 = arith.mulf %max3A_139, %mul3A_141 : vector<16xf32>
    %sub3A = arith.constant 0.699999988 : f32
    %sub3A_143 = vector.broadcast %sub3A : f32 to vector<16xf32>
    %sub3A_144 = arith.subf %mul3A_142, %sub3A_143 : vector<16xf32>
    %mul3A_145 = arith.constant 3.000000e+01 : f32
    %mul3A_146 = vector.broadcast %mul3A_145 : f32 to vector<16xf32>
    %mul3A_147 = arith.mulf %mul3A_146, %sub3A_144 : vector<16xf32>
    %exp3A = math.exp %mul3A_147 : vector<16xf32>
    %add3A_148 = arith.constant 1.000000e+00 : f32
    %add3A_149 = vector.broadcast %add3A_148 : f32 to vector<16xf32>
    %add3A_150 = arith.addf %add3A_149, %exp3A : vector<16xf32>
    %mul3A_151 = arith.mulf %scan3A_76, %add3A_150 : vector<16xf32>
    %neg3A = arith.constant 0.000000e+00 : f32
    %neg3A_152 = vector.broadcast %neg3A : f32 to vector<16xf32>
    %neg3A_153 = arith.subf %neg3A_152, %mul3A_151 : vector<16xf32>
    %mul3A_154 = arith.constant 0.00999999977 : f32
    %mul3A_155 = vector.broadcast %mul3A_154 : f32 to vector<16xf32>
    %mul3A_156 = arith.mulf %neg3A_153, %mul3A_155 : vector<16xf32>
    %scan3A_157 = arith.constant 0 : i32
    %scan3A_158 = arith.constant 80 : i32
    %scan3A_159 = arith.addi %scan3A_157, %scan3A_158 : i32
    %scan3A_160 = arith.constant 1 : i32
    %scan3A_161 = scf.for %scan3A_168 = %scan3A_157 to %scan3A_159 step %scan3A_160 iter_args(%scan3A_169 = %broadcast_in_dim3A_3) -> (vector<16xf32>)  : i32 {
      %broadcast_in_dim3A_170 = vector.broadcast %scan3A_168 : i32 to vector<16xi32>
      %gather3A_171 = tpu.vector_load_idx %arg8[%iota3A, %broadcast_in_dim3A_170, %broadcast_in_dim3A_7] : memref<16x80x2xf32, #tpu.memory_space<vmem>>[vector<16xi32>, vector<16xi32>, vector<16xi32>], vector<16xf32>,
      %gather3A_172 = tpu.vector_load_idx %arg8[%iota3A, %broadcast_in_dim3A_170, %broadcast_in_dim3A_9] : memref<16x80x2xf32, #tpu.memory_space<vmem>>[vector<16xi32>, vector<16xi32>, vector<16xi32>], vector<16xf32>,
      %mul3A_173 = arith.mulf %gather3A_171, %gather3A_171 : vector<16xf32>
      %mul3A_174 = arith.mulf %gather3A_172, %gather3A_172 : vector<16xf32>
      %add3A_175 = arith.addf %mul3A_173, %mul3A_174 : vector<16xf32>
      %bitcast3A = vector.bitcast %add3A_175 : vector<16xf32> to vector<16xi32>
      %shift_right_logical3A = arith.constant 1 : i32
      %shift_right_logical3A_176 = vector.broadcast %shift_right_logical3A : i32 to vector<16xi32>
      %shift_right_logical3A_177 = arith.shrui %bitcast3A, %shift_right_logical3A_176 : vector<16xi32>
      %sub3A_178 = arith.constant 1597463007 : i32
      %sub3A_179 = vector.broadcast %sub3A_178 : i32 to vector<16xi32>
      %sub3A_180 = arith.subi %sub3A_179, %shift_right_logical3A_177 : vector<16xi32>
      %bitcast3A_181 = vector.bitcast %sub3A_180 : vector<16xi32> to vector<16xf32>
      %mul3A_182 = arith.constant 5.000000e-01 : f32
      %mul3A_183 = vector.broadcast %mul3A_182 : f32 to vector<16xf32>
      %mul3A_184 = arith.mulf %mul3A_183, %add3A_175 : vector<16xf32>
      %mul3A_185 = arith.mulf %mul3A_184, %bitcast3A_181 : vector<16xf32>
      %mul3A_186 = arith.mulf %mul3A_185, %bitcast3A_181 : vector<16xf32>
      %sub3A_187 = arith.constant 1.500000e+00 : f32
      %sub3A_188 = vector.broadcast %sub3A_187 : f32 to vector<16xf32>
      %sub3A_189 = arith.subf %sub3A_188, %mul3A_186 : vector<16xf32>
      %mul3A_190 = arith.mulf %bitcast3A_181, %sub3A_189 : vector<16xf32>
      %mul3A_191 = arith.constant 5.000000e-01 : f32
      %mul3A_192 = vector.broadcast %mul3A_191 : f32 to vector<16xf32>
      %mul3A_193 = arith.mulf %mul3A_192, %add3A_175 : vector<16xf32>
      %mul3A_194 = arith.mulf %mul3A_193, %mul3A_190 : vector<16xf32>
      %mul3A_195 = arith.mulf %mul3A_194, %mul3A_190 : vector<16xf32>
      %sub3A_196 = arith.constant 1.500000e+00 : f32
      %sub3A_197 = vector.broadcast %sub3A_196 : f32 to vector<16xf32>
      %sub3A_198 = arith.subf %sub3A_197, %mul3A_195 : vector<16xf32>
      %mul3A_199 = arith.mulf %mul3A_190, %sub3A_198 : vector<16xf32>
      %mul3A_200 = arith.constant 5.000000e-01 : f32
      %mul3A_201 = vector.broadcast %mul3A_200 : f32 to vector<16xf32>
      %mul3A_202 = arith.mulf %mul3A_201, %add3A_175 : vector<16xf32>
      %mul3A_203 = arith.mulf %mul3A_202, %mul3A_199 : vector<16xf32>
      %mul3A_204 = arith.mulf %mul3A_203, %mul3A_199 : vector<16xf32>
      %sub3A_205 = arith.constant 1.500000e+00 : f32
      %sub3A_206 = vector.broadcast %sub3A_205 : f32 to vector<16xf32>
      %sub3A_207 = arith.subf %sub3A_206, %mul3A_204 : vector<16xf32>
      %mul3A_208 = arith.mulf %mul3A_199, %sub3A_207 : vector<16xf32>
      %mul3A_209 = arith.constant 5.000000e-01 : f32
      %mul3A_210 = vector.broadcast %mul3A_209 : f32 to vector<16xf32>
      %mul3A_211 = arith.mulf %mul3A_210, %add3A_175 : vector<16xf32>
      %mul3A_212 = arith.mulf %mul3A_211, %mul3A_208 : vector<16xf32>
      %mul3A_213 = arith.mulf %mul3A_212, %mul3A_208 : vector<16xf32>
      %sub3A_214 = arith.constant 1.500000e+00 : f32
      %sub3A_215 = vector.broadcast %sub3A_214 : f32 to vector<16xf32>
      %sub3A_216 = arith.subf %sub3A_215, %mul3A_213 : vector<16xf32>
      %mul3A_217 = arith.mulf %mul3A_208, %sub3A_216 : vector<16xf32>
      %gt3A = arith.constant 0.000000e+00 : f32
      %gt3A_218 = vector.broadcast %gt3A : f32 to vector<16xf32>
      %gt3A_219 = arith.cmpf ogt, %add3A_175, %gt3A_218 : vector<16xf32>
      %mul3A_220 = arith.mulf %add3A_175, %mul3A_217 : vector<16xf32>
      %select_n3A = arith.select %gt3A_219, %mul3A_220, %broadcast_in_dim3A_3 : vector<16xi1>, vector<16xf32>
      %add3A_221 = arith.addf %scan3A_169, %select_n3A : vector<16xf32>
      scf.yield %add3A_221 : vector<16xf32>
    }
    %scan3A_162 = arith.constant 80 : i32
    %add3A_163 = arith.addf %mul3A_156, %scan3A_161 : vector<16xf32>
    %swap3A_164 = arith.constant 0 : index
    %swap3A_165 = tpu.vector_load %arg12[%swap3A_164] {strides = array<i32>} : memref<16xf32, #tpu.memory_space<vmem>>, vector<16xf32>,
    tpu.vector_store %arg12[%swap3A_164], %add3A_163 {strides = array<i32>} : memref<16xf32, #tpu.memory_space<vmem>>, vector<16xf32>,
    %swap3A_166 = arith.constant 0 : index
    %swap3A_167 = tpu.vector_load %arg11[%swap3A_166] {strides = array<i32>} : memref<16xf32, #tpu.memory_space<vmem>>, vector<16xf32>,
    tpu.vector_store %arg11[%swap3A_166], %mul3A_142 {strides = array<i32>} : memref<16xf32, #tpu.memory_space<vmem>>, vector<16xf32>,
    "tpu.region"() ({
      %run_scoped3A = tpu.sem_alloc : memref<!tpu.dma_semaphore, #tpu.memory_space<semaphore_mem>>
      %dma_start3A = arith.constant 0 : i32
      %dma_start3A_168 = tpu.memref_slice %arg5[%add3A, %dma_start3A] : memref<32x16xf32, #tpu.memory_space<hbm>> -> memref<1x16xf32, #tpu.memory_space<hbm>>
      %dma_start3A_169 = tpu.memref_squeeze %dma_start3A_168 : memref<1x16xf32, #tpu.memory_space<hbm>> -> memref<16xf32, #tpu.memory_space<hbm>>
      %dma_start3A_170 = arith.constant 0 : i32
      %dma_start3A_171 = tpu.memref_slice %arg5[%add3A, %dma_start3A_170] : memref<32x16xf32, #tpu.memory_space<hbm>> -> memref<1x16xf32, #tpu.memory_space<hbm>>
      %dma_start3A_172 = tpu.memref_squeeze %dma_start3A_171 : memref<1x16xf32, #tpu.memory_space<hbm>> -> memref<16xf32, #tpu.memory_space<hbm>>
      tpu.enqueue_dma source(%arg12 : memref<16xf32, #tpu.memory_space<vmem>>) target(%dma_start3A_172 : memref<16xf32, #tpu.memory_space<hbm>>) target_semaphore(%run_scoped3A : memref<!tpu.dma_semaphore, #tpu.memory_space<semaphore_mem>>)
      %dma_wait3A = arith.constant 0 : i32
      %dma_wait3A_173 = tpu.memref_slice %arg5[%add3A, %dma_wait3A] : memref<32x16xf32, #tpu.memory_space<hbm>> -> memref<1x16xf32, #tpu.memory_space<hbm>>
      %dma_wait3A_174 = tpu.memref_squeeze %dma_wait3A_173 : memref<1x16xf32, #tpu.memory_space<hbm>> -> memref<16xf32, #tpu.memory_space<hbm>>
      %dma_wait3A_175 = arith.constant 0 : i32
      %dma_wait3A_176 = tpu.memref_slice %arg5[%add3A, %dma_wait3A_175] : memref<32x16xf32, #tpu.memory_space<hbm>> -> memref<1x16xf32, #tpu.memory_space<hbm>>
      %dma_wait3A_177 = tpu.memref_squeeze %dma_wait3A_176 : memref<1x16xf32, #tpu.memory_space<hbm>> -> memref<16xf32, #tpu.memory_space<hbm>>
      tpu.wait_dma2 semaphore(%run_scoped3A : memref<!tpu.dma_semaphore, #tpu.memory_space<semaphore_mem>>) src(%arg12 : memref<16xf32, #tpu.memory_space<vmem>>) dst(%dma_wait3A_177 : memref<16xf32, #tpu.memory_space<hbm>>)
      tpu.yield
    }) : () -> ()
    "tpu.region"() ({
      %run_scoped3A = tpu.sem_alloc : memref<!tpu.dma_semaphore, #tpu.memory_space<semaphore_mem>>
      %dma_start3A = tpu.memref_slice %arg6[%mul3A_2] : memref<512xf32, #tpu.memory_space<hbm>> -> memref<16xf32, #tpu.memory_space<hbm>>
      %dma_start3A_168 = tpu.memref_slice %arg6[%mul3A_2] : memref<512xf32, #tpu.memory_space<hbm>> -> memref<16xf32, #tpu.memory_space<hbm>>
      tpu.enqueue_dma source(%arg11 : memref<16xf32, #tpu.memory_space<vmem>>) target(%dma_start3A_168 : memref<16xf32, #tpu.memory_space<hbm>>) target_semaphore(%run_scoped3A : memref<!tpu.dma_semaphore, #tpu.memory_space<semaphore_mem>>)
      %dma_wait3A = tpu.memref_slice %arg6[%mul3A_2] : memref<512xf32, #tpu.memory_space<hbm>> -> memref<16xf32, #tpu.memory_space<hbm>>
      %dma_wait3A_169 = tpu.memref_slice %arg6[%mul3A_2] : memref<512xf32, #tpu.memory_space<hbm>> -> memref<16xf32, #tpu.memory_space<hbm>>
      tpu.wait_dma2 semaphore(%run_scoped3A : memref<!tpu.dma_semaphore, #tpu.memory_space<semaphore_mem>>) src(%arg11 : memref<16xf32, #tpu.memory_space<vmem>>) dst(%dma_wait3A_169 : memref<16xf32, #tpu.memory_space<hbm>>)
      tpu.yield
    }) : () -> ()
    return
  }
}

</mosaic_0001>

<sc_bundles>
// kernel: kernel.3.cloned.1.call-start
scs
__scs_entry_jumppad:
0x0: {  	(pc) =	sbr.rel $0x88, $3  }
0x1: {  	(tag) =	ssettag $0x0;
	lr =	simm.s32 $0x1  }
0x2: {  	[smem:$0x3F9E] =	sst lr;
	_ =	strace $0xD0000000  }
0x3: {  	_ = 	snop  }
0x4: {  	_ = 	snop  }
0x5: {  	_ = 	snop  }
0x6: {  	_ = 	snop  }
0x7: {  	_ = 	snop  }
__scs_overlays_trampoline_lowered:
0x8: {  	[smem:$0x3FAD] =	sst s0  }
0x9: {  	[smem:$0x3FAE] =	sst s1  }
0xa: {  	[smem:$0x3FAF] =	sst s2  }
0xb: {  	[smem:$0x3FB0] =	sst s3  }
0xc: {  	[smem:$0x3FB1] =	sst s4  }
0xd: {  	[smem:$0x3FB2] =	sst s5  }
0xe: {  	[smem:$0x3FB3] =	sst s6  }
0xf: {  	[smem:$0x3FB4] =	sst s7  }
0x10: {  	[smem:$0x3FB5] =	sst s8  }
0x11: {  	[smem:$0x3FB6] =	sst s9;
	s0 =	simm.s32 @!p0 $0x0  }
0x12: {  	s1 =	sld [smem:$0x3F9C];
	s0 =	simm.s32 @p0 $0x1  }
0x13: {  	[smem:$0x3FB7] =	sst s0;
	s0 =	simm.s32 @!p1 $0x0  }
0x14: {  	s2 =	sld [smem:$0x3F9B];
	s0 =	simm.s32 @p1 $0x1  }
0x15: {  	[smem:$0x3FB8] =	sst s0;
	s0 =	simm.s32 @!p2 $0x0  }
0x16: {  	s3 =	sld [smem:$0x3FDB];
	s0 =	simm.s32 @p2 $0x1  }
0x17: {  	s4 =	simm.s32 $0x1BF5;
	[smem:$0x3FBA] =	sst s0  }
0x18: {  	s0 =	sld [smem:$0x3F9D];
	_ =	swait.ge [sflag:s4], $0x0  }
0x19: {  	s7 =	sld [smem:$0x3F9E]  }
0x1a: {  	s8 =	sadd.s32 $0xFFFFE003, lr  }
0x1b: {  	s9 =	sadd.s32 $0xFFFFFEF7, lr;
	s5 =	simm.s32 $0xFFFFFFFF;
	p2 =	slt.u32 s8, $0xFFFFF086  }
0x1c: {  	p1 =	slt.u32 s9, $0xF7A;
	s5 =	simm.s32 @!p2 $0x0  }
0x1d: {  	s5 =	simm.s32 @p1 $0x1;
	p0 =	seq.s32 s7, s2  }
0x1e: {  	s7 =	smul.u32 @!p0 $0xF7A, s2;
	p2 =	seq.s32 @!p0 s5, $0x0  }
0x1f: {  	s9 =	smul.u32 $0xF7A, s1;
	s8 =	simm.s32 @!p0 $0x1BF5;
	p2 =	por !p2, p0  }
0x20: {  	[sflag:s8] =	ssyncset.s32 @!p0 $0xFFFFF086;
	s6 =	sadd.s32 @!p0 s3, s7;
	s7 =	simm.s32 @!p0 $0x108  }
0x21: {  	s3 =	sadd.s32 s3, s9;
	s6 =	sadd.s32 @!p0 $0x88, s6;
	s7 =	simm.s32 @p2 $0x1082  }
0x22: {  	[simem:s7], [sflag:s8] =	dma.local @!p0 [hbm:s6], $0xF7A  }
0x23: {  	s9 =	sor.u32 $0xD0000000, s2;
	s6 =	simm.s32 $0x108;
	_ =	swait.ge @!p0 [sflag:s8], $0x0  }
0x24: {  	s3 =	sadd.s32 $0x88, s3;
	s6 =	simm.s32 @!p1 $0x1082;
	[sflag:s4] =	ssyncset.s32 $0xFFFFF086  }
0x25: {  	[simem:s6], [sflag:s4] =	dma.local [hbm:s3], $0xF7A  }
0x26: {  	[smem:$0x3F9E] =	sst s1;
	(tag) =	ssettag s2;
	_ =	strace s9  }
0x27: {  	s1 =	sld [smem:$0x3FAE]  }
0x28: {  	s2 =	sld [smem:$0x3FAF]  }
0x29: {  	s4 =	sld [smem:$0x3FB1]  }
0x2a: {  	p0 =	seq.s32 s5, $0x0;
	s5 =	sld [smem:$0x3FB2]  }
0x2b: {  	s6 =	sld [smem:$0x3FB3]  }
0x2c: {  	s7 =	sld [smem:$0x3FB4]  }
0x2d: {  	s3 =	simm.s32 $0x108;
	s8 =	sld [smem:$0x3FB5]  }
0x2e: {  	s3 =	simm.s32 @!p0 $0x1082;
	s9 =	sld [smem:$0x3FB6]  }
0x2f: {  	lr =	sadd.s32 s0, s3;
	s0 =	sld [smem:$0x3FAD]  }
0x30: {  	s3 =	sld [smem:$0x3FB0]  }
0x31: {  	[smem:$0x3FB9] =	sst s10  }
0x32: {  	s10 =	sld [smem:$0x3FB7];
	_ =	sdelay $0x3  }
0x33: {  	p0 =	seq.s32 s10, $0x1;
	s10 =	sld [smem:$0x3FB9];
	_ =	sdelay $0x3  }
0x34: {  	[smem:$0x3FB9] =	sst s10  }
0x35: {  	s10 =	sld [smem:$0x3FB8];
	_ =	sdelay $0x3  }
0x36: {  	p1 =	seq.s32 s10, $0x1;
	s10 =	sld [smem:$0x3FB9];
	_ =	sdelay $0x3  }
0x37: {  	[smem:$0x3FB9] =	sst s10  }
0x38: {  	s10 =	sld [smem:$0x3FBA]  }
0x39: {  	_ = 	snop;
	(pc) =	sbr.ind lr, $3  }
0x3a: {  	_ = 	snop  }
0x3b: {  	_ = 	snop  }
0x3c: {  	p2 =	seq.s32 s10, $0x1;
	s10 =	sld [smem:$0x3FB9]  }
0x3d: {  	_ =	shalt  }
0x3e: {  	_ =	shalt  }
0x3f: {  	_ =	shalt  }
0x40: {  	_ =	shalt  }
0x41: {  	_ =	shalt  }
0x42: {  	_ =	shalt  }
0x43: {  	_ =	shalt  }
0x44: {  	_ =	shalt  }
0x45: {  	_ =	shalt  }
0x46: {  	_ =	shalt  }
0x47: {  	_ =	shalt  }
0x48: {  	_ =	shalt  }
0x49: {  	_ =	shalt  }
0x4a: {  	_ =	shalt  }
0x4b: {  	_ =	shalt  }
0x4c: {  	_ =	shalt  }
0x4d: {  	_ =	shalt  }
0x4e: {  	_ =	shalt  }
0x4f: {  	_ =	shalt  }
0x50: {  	_ =	shalt  }
0x51: {  	_ =	shalt  }
0x52: {  	_ =	shalt  }
0x53: {  	_ =	shalt  }
0x54: {  	_ =	shalt  }
0x55: {  	_ =	shalt  }
0x56: {  	_ =	shalt  }
0x57: {  	_ =	shalt  }
0x58: {  	_ =	shalt  }
0x59: {  	_ =	shalt  }
0x5a: {  	_ =	shalt  }
0x5b: {  	_ =	shalt  }
0x5c: {  	_ =	shalt  }
0x5d: {  	_ =	shalt  }
0x5e: {  	_ =	shalt  }
0x5f: {  	_ =	shalt  }
0x60: {  	_ =	shalt  }
0x61: {  	_ =	shalt  }
0x62: {  	_ =	shalt  }
0x63: {  	_ =	shalt  }
0x64: {  	_ =	shalt  }
0x65: {  	_ =	shalt  }
0x66: {  	_ =	shalt  }
0x67: {  	_ =	shalt  }
0x68: {  	_ =	shalt  }
0x69: {  	_ =	shalt  }
0x6a: {  	_ =	shalt  }
0x6b: {  	_ =	shalt  }
0x6c: {  	_ =	shalt  }
0x6d: {  	_ =	shalt  }
0x6e: {  	_ =	shalt  }
0x6f: {  	_ =	shalt  }
0x70: {  	_ =	shalt  }
0x71: {  	_ =	shalt  }
0x72: {  	_ =	shalt  }
0x73: {  	_ =	shalt  }
0x74: {  	_ =	shalt  }
0x75: {  	_ =	shalt  }
0x76: {  	_ =	shalt  }
0x77: {  	_ =	shalt  }
0x78: {  	_ =	shalt  }
0x79: {  	_ =	shalt  }
0x7a: {  	_ =	shalt  }
0x7b: {  	_ =	shalt  }
0x7c: {  	_ =	shalt  }
0x7d: {  	_ =	shalt  }
0x7e: {  	_ =	shalt  }
0x7f: {  	_ =	shalt  }
0x80: {  	_ =	shalt  }
0x81: {  	_ =	shalt  }
0x82: {  	_ =	shalt  }
0x83: {  	_ =	shalt  }
0x84: {  	_ =	shalt  }
0x85: {  	_ =	shalt  }
0x86: {  	_ =	shalt  }
0x87: {  	_ =	shalt  }
.Lfunc_end0:
.L_simem_size_0:
called_computation_lowered:
.L_overlay_start_0:
0x88: {  	s2 =	sld [smem:$0x3FD9]  }
0x89: {  	s3 =	sld [smem:$0x3FFE];
	_ =	sdelay $0x1  }
0x8a: {  	s1 =	srdreg.scid  }
0x8b: {  	s0 =	sand.u32 $0x1, s1  }
0x8c: {  	s14 =	sshll.u32 s0, $0xA;
	s2 =	sadd.s32 s3, s2  }
0x8d: {  	s2 =	sadd.s32 s2, s14  }
0x8e: {  	[smem:$0x3FC5] =	sst s2  }
0x8f: {  	_ = 	snop  }
0x90: {  	s2 =	sld [smem:$0x3FD0];
	_ =	sdelay $0x2  }
0x91: {  	s15 =	simm.s32 $0xA;
	s4 =	simm.s32 $0x10  }
0x92: {  	[smem:s4], [sflag:s15] =	dma.local [hbm:s2], $0x1  }
0x93: {  	_ =	swait.eq [sflag:s15], $0x1  }
0x94: {  	[sflag:s15] =	ssyncset.done $0x0  }
0x95: {  	[sflag:s15] =	ssyncadd.s32 $0xFFFFFFFF  }
0x96: {  	s16 =	sld [smem:$0x11];
	(tm) =	ssettm $0x1  }
0x97: {  	s17 =	sld [smem:$0x3FFB];
	_ =	sdelay $0x3  }
0x98: {  	_ =	strace s17  }
0x99: {  	s3 =	sld [smem:$0x3FFC];
	_ =	sdelay $0x3  }
0x9a: {  	_ =	strace s3  }
0x9b: {  	s3 =	sld [smem:$0x3FFD];
	_ =	sdelay $0x3  }
0x9c: {  	_ =	strace s3  }
0x9d: {  	_ =	strace $0x8FFFFFFF  }
0x9e: {  	s18 =	sld [smem:$0x3FDB];
	_ =	sdelay $0x1  }
0x9f: {  	s19 =	simm.s32 $_scs_section_size  }
0xa0: {  	s5 =	simm.s32 $_size__tile_overlayer_lowered;
	s6 =	simm.s32 $_tile_overlayer_lowered  }
0xa1: {  	s22 =	simm.s32 $0x1BFF;
	s21 =	sshll.u32 s6, $0x1;
	s3 =	sadd.s32 s19, s18  }
0xa2: {  	s7 =	simm.s32 $0x0;
	s20 =	sshll.u32 s5, $0x1;
	s5 =	sadd.s32 s21, s3  }
0xa3: {  	[timem:s7], [sflag:s22] =	dma.local [hbm:s5], s20  }
0xa4: {  	_ =	swait.ge [sflag:s22], s20  }
0xa5: {  	s4 =	ssub.s32 $0x0, s20;
	[sflag:s22] =	ssyncset.done $0x0  }
0xa6: {  	[sflag:s22] =	ssyncadd.s32 s4;
	_ =	sdelay $0x1  }
0xa7: {  	s23 =	simm.s32 $0x1B8B  }
0xa8: {  	_ =	swait.ge [sflag:s23], $0x1  }
0xa9: {  	[sflag:s23] =	ssyncset.done $0x0  }
0xaa: {  	s25 =	simm.s32 $0x1B8E;
	s24 =	sld [smem:$0x3FFE];
	[sflag:s23] =	ssyncadd.s32 $0xFFFFFFFF  }
0xab: {  	s26 =	simm.s32 $execute0_lowered;
	[smem:$0x3FD2] =	sst s25  }
0xac: {  	s5 =	sshll.u32 s26, $0x1;
	_ =	strace $0x80000046;
	[dreg:$0x1] =	wrdreg $0xFFFFFFFF  }
0xad: {  	s28 =	simm.s32 $_size_execute0_lowered;
	s3 =	sadd.s32 s3, s5;
	[dreg:$0x0] =	wrdreg $0x0  }
0xae: {  	s5 =	sshll.u32 s28, $0x1;
	[dreg:$0x2] =	wrdreg s3  }
0xaf: {  	[dreg:$0x3] =	wrdreg s5  }
0xb0: {  	[dreg:$0x4] =	wrdreg $0xC0  }
0xb1: {  	_ =	task [dreg:s7], $0x5FFFF  }
0xb2: {  	[dreg:$0x1] =	wrdreg $0xFFFFFFFF  }
0xb3: {  	[dreg:$0x0] =	wrdreg $0x60  }
0xb4: {  	[dreg:$0x2] =	wrdreg s24  }
0xb5: {  	[dreg:$0x3] =	wrdreg s16  }
0xb6: {  	[dreg:$0x4] =	wrdreg $0x9  }
0xb7: {  	_ =	task.clear_ibuf [dreg:s7], $0x5FFFF;
	_ =	strace $0x90000046  }
0xb8: {  	s29 =	simm.s32 $0x9;
	_ =	strace $0x80000048  }
0xb9: {  	_ =	swait.ge [sflag:s29], $0x1  }
0xba: {  	[sflag:s29] =	ssyncadd.s32 $0xFFFFFFFF  }
0xbb: {  	_ =	strace $0x90000048  }
0xbc: {  	_ =	sfence  }
0xbd: {  	s30 =	sld [smem:$0x0];
	_ =	sdelay $0x2  }
0xbe: {  	s31 =	sshll.u32 s1, $0xD;
	s1 =	sshrl.u32 s1, $0x2  }
0xbf: {  	s3 =	sand.u32 $0x4000, s31;
	s1 =	sadd.s32 s1, s30  }
0xc0: {  	s0 =	sor.u32 s3, s0;
	s1 =	sshll.u32 s1, $0x11  }
0xc1: {  	s0 =	sor.u32 s1, s0  }
0xc2: {  	s0 =	sadd.s32 $0x8F2B, s0  }
0xc3: {  	[sflag:s0] =	ssyncadd.remote.s32 $0x1  }
0xc4: {  	_ =	sfence.sel $0xFFFF  }
0xc5: {  	[dreg:$0x0] =	wrdreg $0xFFFFFFFF;
	(pc) =	sbr.abs _section_cstart, $3  }
0xc6: {  	[dreg:$0x1] =	wrdreg $0xFFFFFFFF  }
0xc7: {  	_ =	task.clear_ibuf [dreg:s7], $0x2FFFF;
	_ =	strace $0x9FFFFFFF  }
0xc8: {  	(tm) =	ssettm $0x7FFFFFFF  }
0xc9: {  	_ =	shalt  }
tec
execute0_lowered:
.L_overlay_start_1:
0x0: {  	(tag) =	ssettag $0x1  }
0x1: {  	s1 =	srdreg.scid  }
0x2: {  	v19 =	vlaneseq.u32;
	s0 =	stileid.u32;
	s3 =	sand.u32 $0x1, s1  }
0x3: {  	s4 =	rddreg [dreg:$0x0];
	s30 =	sshll.u32 s0, $0x5;
	v14 =	vmul.u32 $0x10, v19;
	s2 =	sshll.u32 s3, $0x4  }
0x4: {  	s7 =	rddreg [dreg:$0x1];
	s5 =	sor.u32 s2, s30;
	s2 =	simm.s32 $0x0  }
0x5: {  	v0 =	vmul.u32 $0x400, v19;
	v20 =	vor.u32 $0x1, v14;
	[smem:$0x7FF] =	sst s2  }
0x6: {  	v2 =	vimm.s32 $0x0;
	s1 =	rddreg [dreg:$0x2];
	v29 =	vmul.u32 $0x280, v19;
	v19 =	vor.u32 $0xB, v14;
	_ =	strace $0x80000047;
	[tilespmem:$0x1FF50] =	vst v20  }
0x7: {  	v18 =	vimm.f32 $1.000000000e+00;
	v1 =	vor.u32 $0x1, v0;
	v20 =	vor.u32 $0x2, v14;
	[tilespmem:$0x1FFF0] =	vst v19  }
0x8: {  	v3 =	vor.u32 $0x2, v0;
	v4 =	vor.u32 $0x3, v0;
	[tilespmem:$0x1FF60] =	vst v20;
	v20 =	vor.u32 $0x3, v14  }
0x9: {  	s13 =	simm.s32 $0x6A10;
	s14 =	simm.s32 $0x6A00;
	s3 =	ssub.s32 $0x2, s3;
	v5 =	vor.u32 $0x4, v0;
	v6 =	vor.u32 $0x5, v0;
	[tilespmem:$0x1FF70] =	vst v20;
	v20 =	vor.u32 $0x4, v14  }
0xa: {  	s15 =	simm.s32 $0x0;
	v7 =	vor.u32 $0x6, v0;
	v8 =	vor.u32 $0x7, v0;
	s31 =	sshrl.u32 s3, $0x1;
	s6 =	smul.u32 $0x50, s5;
	[tilespmem:$0x1FF80] =	vst v20;
	v20 =	vor.u32 $0x5, v14  }
0xb: {  	v9 =	vor.u32 $0x8, v0;
	v10 =	vor.u32 $0x9, v0;
	s8 =	sshll.u32 s5, $0x7;
	s9 =	sshll.u32 s5, $0x1;
	s10 =	sshrl.u32 s5, $0x3;
	[tilespmem:$0x1FF90] =	vst v20;
	v20 =	vor.u32 $0x6, v14  }
0xc: {  	v11 =	vor.u32 $0xA, v0;
	v12 =	vor.u32 $0xB, v0;
	s12 =	ssub.s32 s3, s31;
	s8 =	sadd.s32 s8, s4;
	s9 =	sadd.s32 s9, s4;
	[tilespmem:$0x1FFA0] =	vst v20;
	v20 =	vor.u32 $0x7, v14  }
0xd: {  	v13 =	vor.u32 $0xC, v0;
	v15 =	vor.u32 $0xD, v0;
	s11 =	sadd.s32 s10, s4;
	s7 =	sadd.s32 s7, s10;
	s10 =	simm.s32 $0x4000;
	[tilespmem:$0x1FFB0] =	vst v20;
	v20 =	vor.u32 $0x8, v14  }
0xe: {  	v16 =	vor.u32 $0xE, v0;
	v17 =	vor.u32 $0xF, v0;
	s6 =	sadd.s32 s6, s4;
	s3 =	sadd.s32 $0xA800, s8;
	s5 =	sadd.s32 $0x1A800, s9;
	[tilespmem:$0x1FFC0] =	vst v20;
	v20 =	vor.u32 $0x9, v14  }
0xf: {  	v31 =	vor.u32 $0xC, v14;
	v32 =	vor.u32 $0xD, v14;
	s8 =	smax.u32 s12, $0x1;
	s9 =	simm.s32 $0x1;
	s12 =	simm.s32 $0x6900;
	[tilespmem:$0x1FFD0] =	vst v20;
	v20 =	vor.u32 $0xA, v14  }
0x10: {  	v33 =	vor.u32 $0xE, v14;
	v34 =	vor.u32 $0xF, v14;
	v35 =	vor.u32 $0x1, v29;
	s4 =	sadd.s32 $0x800, s6;
	s6 =	sadd.s32 $0x1AC00, s11;
	s11 =	simm.s32 $0x6800;
	[tilespmem:$0x1FFE0] =	vst v20  }
.LBB2_1:
0x11: {  	[tilespmem:s2], [sflag:$0x1] =	stream.linear.gather [hbm4b:s3+s2], $0x4000, $0x38;
	[tilespmem:$0x6A20] =	vst v63  }
0x12: {  	_ =	swait.ge [sflag:s9], $0x4000  }
0x13: {  	[sflag:s9] =	ssyncset.done $0x0  }
0x14: {  	[sflag:s9] =	ssyncadd.s32 $0xFFFFC000  }
0x15: {  	[tilespmem:s10], [sflag:$0x1] =	stream.linear.gather [hbm4b:s4+s2], $0x2800, $0x38;
	[tilespmem:$0x6A20] =	vst v63  }
0x16: {  	_ =	swait.ge [sflag:s9], $0x2800  }
0x17: {  	[sflag:s9] =	ssyncset.done $0x0  }
0x18: {  	[sflag:s9] =	ssyncadd.s32 $0xFFFFD800  }
0x19: {  	[tilespmem:s11], [sflag:$0x1] =	stream.linear.gather [hbm4b:s5+s2], $0x100, $0x38;
	[tilespmem:$0x6A20] =	vst v63  }
0x1a: {  	_ =	swait.ge [sflag:s9], $0x100  }
0x1b: {  	[sflag:s9] =	ssyncset.done $0x0  }
0x1c: {  	v36 =	vimm.f32 $0.0e+00;
	[sflag:s9] =	ssyncadd.s32 $0xFFFFFF00  }
0x1d: {  	[tilespmem:$0x6900] =	vst v36  }
0x1e: {  	[tilespmem:$0x6910] =	vst v36  }
0x1f: {  	[tilespmem:$0x6920] =	vst v36  }
0x20: {  	[tilespmem:$0x6930] =	vst v36  }
0x21: {  	[tilespmem:$0x6940] =	vst v36  }
0x22: {  	[tilespmem:$0x6950] =	vst v36  }
0x23: {  	[tilespmem:$0x6960] =	vst v36  }
0x24: {  	[tilespmem:$0x6970] =	vst v36  }
0x25: {  	[tilespmem:$0x6980] =	vst v36  }
0x26: {  	[tilespmem:$0x6990] =	vst v36  }
0x27: {  	s16 =	simm.s32 $0x0;
	[tilespmem:$0x69A0] =	vst v36  }
0x28: {  	v19 =	vor.u32 s16, v0;
	[tilespmem:$0x69B0] =	vst v36  }
0x29: {  	[tilespmem:$0x69C0] =	vst v36  }
0x2a: {  	v20 =	vor.u32 s16, v1;
	[tilespmem:$0x69D0] =	vst v36  }
0x2b: {  	[tilespmem:$0x69E0] =	vst v36  }
0x2c: {  	v21 =	vor.u32 s16, v3;
	[tilespmem:$0x69F0] =	vst v36  }
0x2d: {  	v19 =	vld.idx.msk [tilespmem:v19+s2+$0x0], $0xffff  }
0x2e: {  	v22 =	vor.u32 s16, v4  }
0x2f: {  	v20 =	vld.idx.msk [tilespmem:v20+s2+$0x0], $0xffff  }
0x30: {  	v23 =	vor.u32 s16, v5  }
0x31: {  	v21 =	vld.idx.msk [tilespmem:v21+s2+$0x0], $0xffff  }
0x32: {  	v24 =	vor.u32 s16, v6;
	vm0 =	vgt.f32 v19, $-Inf  }
0x33: {  	v22 =	vld.idx.msk [tilespmem:v22+s2+$0x0], $0xffff;
	v19 =	vnsel vm0, $0xFF800000, v19  }
0x34: {  	v25 =	vor.u32 s16, v7;
	vm0 =	vgt.f32 v20, v19  }
0x35: {  	v23 =	vld.idx.msk [tilespmem:v23+s2+$0x0], $0xffff;
	v19 =	vsel vm0, v20, v19  }
0x36: {  	v20 =	vor.u32 s16, v8;
	vm1 =	vgt.f32 v21, v19  }
0x37: {  	v24 =	vld.idx.msk [tilespmem:v24+s2+$0x0], $0xffff;
	v19 =	vsel vm1, v21, v19  }
0x38: {  	v21 =	vor.u32 s16, v9;
	vm2 =	vgt.f32 v22, v19  }
0x39: {  	v25 =	vld.idx.msk [tilespmem:v25+s2+$0x0], $0xffff;
	v19 =	vsel vm2, v22, v19  }
0x3a: {  	v22 =	vor.u32 s16, v10;
	vm3 =	vgt.f32 v23, v19  }
0x3b: {  	v20 =	vld.idx.msk [tilespmem:v20+s2+$0x0], $0xffff;
	v19 =	vsel vm3, v23, v19  }
0x3c: {  	v23 =	vor.u32 s16, v11;
	vm4 =	vgt.f32 v24, v19  }
0x3d: {  	v21 =	vld.idx.msk [tilespmem:v21+s2+$0x0], $0xffff;
	v19 =	vsel vm4, v24, v19  }
0x3e: {  	v61 =	vor.u32 s16, v12;
	vm5 =	vgt.f32 v25, v19  }
0x3f: {  	v22 =	vld.idx.msk [tilespmem:v22+s2+$0x0], $0xffff;
	v19 =	vsel vm5, v25, v19  }
0x40: {  	v62 =	vor.u32 s16, v13;
	vm6 =	vgt.f32 v20, v19  }
0x41: {  	v23 =	vld.idx.msk [tilespmem:v23+s2+$0x0], $0xffff;
	v19 =	vsel vm6, v20, v19  }
0x42: {  	v20 =	vor.u32 s16, v15;
	vm7 =	vgt.f32 v21, v19  }
0x43: {  	v37 =	vsel vm0, $0x1, v2;
	v24 =	vld.idx.msk [tilespmem:v61+s2+$0x0], $0xffff;
	v19 =	vsel vm7, v21, v19  }
0x44: {  	v37 =	vsel vm1, $0x2, v37;
	v21 =	vor.u32 s16, v16;
	vm0 =	vgt.f32 v22, v19  }
0x45: {  	v37 =	vsel vm2, $0x3, v37;
	v25 =	vld.idx.msk [tilespmem:v62+s2+$0x0], $0xffff;
	v19 =	vsel vm0, v22, v19  }
0x46: {  	v22 =	vsel vm3, $0x4, v37;
	vm1 =	vgt.f32 v23, v19  }
0x47: {  	v20 =	vld.idx.msk [tilespmem:v20+s2+$0x0], $0xffff;
	v22 =	vsel vm4, $0x5, v22;
	v23 =	vsel vm1, v23, v19  }
0x48: {  	v63 =	vor.u32 s16, v17;
	v22 =	vsel vm5, $0x6, v22;
	vm2 =	vgt.f32 v24, v23  }
0x49: {  	v19 =	vld.idx.msk [tilespmem:v21+s2+$0x0], $0xffff;
	v21 =	vsel vm6, $0x7, v22;
	v22 =	vsel vm2, v24, v23  }
0x4a: {  	v21 =	vsel vm7, $0x8, v21;
	vm3 =	vgt.f32 v25, v22  }
0x4b: {  	v21 =	vsel vm0, $0x9, v21;
	v22 =	vsel vm3, v25, v22  }
0x4c: {  	v21 =	vsel vm1, $0xA, v21;
	vm0 =	vgt.f32 v20, v22  }
0x4d: {  	v23 =	vsel vm2, $0xB, v21;
	v21 =	vsel vm0, v20, v22;
	v20 =	vld.idx.msk [tilespmem:v63+s2+$0x0], $0xffff;
	_ =	sdelay $0x2  }
0x4e: {  	s17 =	simm.s32 $0x2;
	s16 =	simm.s32 $0x1;
	v22 =	vsel vm3, $0xC, v23;
	vm1 =	vgt.f32 v19, v21  }
.LBB2_2:
0x4f: {  	p0 =	sne.s32 s17, $0x3F;
	v22 =	vsel vm0, $0xD, v22;
	v19 =	vsel vm1, v19, v21  }
0x50: {  	v21 =	vsel vm1, $0xE, v22;
	vm0 =	vgt.f32 v20, v19  }
0x51: {  	v19 =	vsel vm0, $0xF, v21  }
0x52: {  	v19 =	vadd.s32 v14, v19  }
0x53: {  	s18 =	sshll.u32 s16, $0x4;
	s16 =	smov.u32 s17  }
0x54: {  	v20 =	vor.u32 s18, v0;
	_ =	sdelay $0x1  }
0x55: {  	v21 =	vor.u32 s18, v1  }
0x56: {  	v22 =	vld.idx.msk [tilespmem:v19+s11+$0x0], $0xffff  }
0x57: {  	v23 =	vor.u32 s18, v3;
	[tilespmem:v19+s12+$0x0] =	vst.idx.add.f32.msk $0xffff, v18  }
0x58: {  	v19 =	vld.idx.msk [tilespmem:v20+s2+$0x0], $0xffff  }
0x59: {  	v20 =	vor.u32 s18, v4  }
0x5a: {  	v21 =	vld.idx.msk [tilespmem:v21+s2+$0x0], $0xffff  }
0x5b: {  	v24 =	vor.u32 s18, v5  }
0x5c: {  	v36 =	vadd.f32 v22, v36;
	v23 =	vld.idx.msk [tilespmem:v23+s2+$0x0], $0xffff  }
0x5d: {  	v22 =	vor.u32 s18, v6  }
0x5e: {  	vm0 =	vgt.f32 v19, $-Inf;
	v20 =	vld.idx.msk [tilespmem:v20+s2+$0x0], $0xffff  }
0x5f: {  	v25 =	vor.u32 s18, v7;
	v19 =	vnsel vm0, $0xFF800000, v19  }
0x60: {  	vm0 =	vgt.f32 v21, v19;
	v24 =	vld.idx.msk [tilespmem:v24+s2+$0x0], $0xffff  }
0x61: {  	v19 =	vsel vm0, v21, v19;
	v21 =	vor.u32 s18, v8  }
0x62: {  	vm1 =	vgt.f32 v23, v19;
	v22 =	vld.idx.msk [tilespmem:v22+s2+$0x0], $0xffff  }
0x63: {  	v19 =	vsel vm1, v23, v19;
	v23 =	vor.u32 s18, v9  }
0x64: {  	vm2 =	vgt.f32 v20, v19;
	v25 =	vld.idx.msk [tilespmem:v25+s2+$0x0], $0xffff  }
0x65: {  	v19 =	vsel vm2, v20, v19;
	v20 =	vor.u32 s18, v10  }
0x66: {  	vm3 =	vgt.f32 v24, v19;
	v21 =	vld.idx.msk [tilespmem:v21+s2+$0x0], $0xffff  }
0x67: {  	v19 =	vsel vm3, v24, v19;
	v24 =	vor.u32 s18, v11  }
0x68: {  	vm4 =	vgt.f32 v22, v19;
	v23 =	vld.idx.msk [tilespmem:v23+s2+$0x0], $0xffff  }
0x69: {  	v19 =	vsel vm4, v22, v19;
	v22 =	vor.u32 s18, v12  }
0x6a: {  	vm5 =	vgt.f32 v25, v19;
	v20 =	vld.idx.msk [tilespmem:v20+s2+$0x0], $0xffff  }
0x6b: {  	v19 =	vsel vm5, v25, v19;
	v25 =	vor.u32 s18, v13  }
0x6c: {  	vm6 =	vgt.f32 v21, v19;
	v24 =	vld.idx.msk [tilespmem:v24+s2+$0x0], $0xffff  }
0x6d: {  	v19 =	vsel vm6, v21, v19;
	v21 =	vor.u32 s18, v15  }
0x6e: {  	vm7 =	vgt.f32 v23, v19;
	v22 =	vld.idx.msk [tilespmem:v22+s2+$0x0], $0xffff  }
0x6f: {  	v37 =	vsel vm0, $0x1, v2;
	v19 =	vsel vm7, v23, v19;
	v23 =	vor.u32 s18, v16  }
0x70: {  	v37 =	vsel vm1, $0x2, v37;
	vm0 =	vgt.f32 v20, v19;
	v25 =	vld.idx.msk [tilespmem:v25+s2+$0x0], $0xffff  }
0x71: {  	v37 =	vsel vm2, $0x3, v37;
	v19 =	vsel vm0, v20, v19;
	v20 =	vor.u32 s18, v17  }
0x72: {  	v37 =	vsel vm3, $0x4, v37;
	vm1 =	vgt.f32 v24, v19;
	v21 =	vld.idx.msk [tilespmem:v21+s2+$0x0], $0xffff  }
0x73: {  	v37 =	vsel vm4, $0x5, v37;
	v24 =	vsel vm1, v24, v19  }
0x74: {  	v37 =	vsel vm5, $0x6, v37;
	vm2 =	vgt.f32 v22, v24;
	v19 =	vld.idx.msk [tilespmem:v23+s2+$0x0], $0xffff  }
0x75: {  	v23 =	vsel vm6, $0x7, v37;
	v22 =	vsel vm2, v22, v24  }
.Ltmp0:
0x76: {  	v23 =	vsel vm7, $0x8, v23;
	vm3 =	vgt.f32 v25, v22;
	v20 =	vld.idx.msk [tilespmem:v20+s2+$0x0], $0xffff;
	(pc) =	sbr.rel @p0 .LBB2_2-.Ltmp0, $4  }
0x77: {  	v23 =	vsel vm0, $0x9, v23;
	v22 =	vsel vm3, v25, v22  }
0x78: {  	v23 =	vsel vm1, $0xA, v23;
	vm0 =	vgt.f32 v21, v22  }
0x79: {  	v23 =	vsel vm2, $0xB, v23;
	v21 =	vsel vm0, v21, v22  }
0x7a: {  	s17 =	sadd.s32 $0x1, s17;
	v22 =	vsel vm3, $0xC, v23;
	vm1 =	vgt.f32 v19, v21  }
0x7b: {  	v22 =	vsel vm0, $0xD, v22;
	v19 =	vsel vm1, v19, v21  }
0x7c: {  	v21 =	vsel vm1, $0xE, v22;
	vm13 =	vgt.f32 v20, v19  }
0x7d: {  	v19 =	vsel vm13, $0xF, v21  }
0x7e: {  	v19 =	vadd.s32 v14, v19  }
0x7f: {  	s16 =	sshll.u32 s16, $0x4  }
0x80: {  	v20 =	vor.u32 s16, v0;
	_ =	sdelay $0x1  }
0x81: {  	v21 =	vor.u32 s16, v1  }
0x82: {  	v40 =	vld.idx.msk [tilespmem:v19+s11+$0x0], $0xffff  }
0x83: {  	v22 =	vor.u32 s16, v3;
	[tilespmem:v19+s12+$0x0] =	vst.idx.add.f32.msk $0xffff, v18  }
0x84: {  	v19 =	vld.idx.msk [tilespmem:v20+s2+$0x0], $0xffff  }
0x85: {  	v20 =	vor.u32 s16, v4  }
0x86: {  	v21 =	vld.idx.msk [tilespmem:v21+s2+$0x0], $0xffff  }
0x87: {  	v23 =	vor.u32 s16, v5  }
0x88: {  	v22 =	vld.idx.msk [tilespmem:v22+s2+$0x0], $0xffff  }
0x89: {  	v24 =	vor.u32 s16, v6;
	vm14 =	vgt.f32 v19, $-Inf  }
0x8a: {  	v20 =	vld.idx.msk [tilespmem:v20+s2+$0x0], $0xffff;
	v19 =	vnsel vm14, $0xFF800000, v19  }
0x8b: {  	v25 =	vor.u32 s16, v7;
	vm0 =	vgt.f32 v21, v19  }
0x8c: {  	v23 =	vld.idx.msk [tilespmem:v23+s2+$0x0], $0xffff;
	v19 =	vsel vm0, v21, v19  }
0x8d: {  	v21 =	vor.u32 s16, v8;
	vm15 =	vgt.f32 v22, v19  }
0x8e: {  	v24 =	vld.idx.msk [tilespmem:v24+s2+$0x0], $0xffff;
	v19 =	vsel vm15, v22, v19  }
0x8f: {  	v22 =	vor.u32 s16, v9;
	vm2 =	vgt.f32 v20, v19  }
0x90: {  	v25 =	vld.idx.msk [tilespmem:v25+s2+$0x0], $0xffff;
	v19 =	vsel vm2, v20, v19  }
0x91: {  	v20 =	vor.u32 s16, v10;
	vm3 =	vgt.f32 v23, v19  }
0x92: {  	v21 =	vld.idx.msk [tilespmem:v21+s2+$0x0], $0xffff;
	v19 =	vsel vm3, v23, v19  }
0x93: {  	v23 =	vor.u32 s16, v11;
	vm4 =	vgt.f32 v24, v19  }
0x94: {  	v22 =	vld.idx.msk [tilespmem:v22+s2+$0x0], $0xffff;
	v19 =	vsel vm4, v24, v19  }
0x95: {  	v24 =	vor.u32 s16, v12;
	vm5 =	vgt.f32 v25, v19  }
0x96: {  	v20 =	vld.idx.msk [tilespmem:v20+s2+$0x0], $0xffff;
	v19 =	vsel vm5, v25, v19  }
0x97: {  	v25 =	vor.u32 s16, v13;
	vm6 =	vgt.f32 v21, v19  }
0x98: {  	v23 =	vld.idx.msk [tilespmem:v23+s2+$0x0], $0xffff;
	v19 =	vsel vm6, v21, v19  }
0x99: {  	v21 =	vor.u32 s16, v15;
	vm7 =	vgt.f32 v22, v19  }
0x9a: {  	v37 =	vsel vm0, $0x1, v2;
	v24 =	vld.idx.msk [tilespmem:v24+s2+$0x0], $0xffff;
	v19 =	vsel vm7, v22, v19  }
0x9b: {  	v37 =	vsel vm15, $0x2, v37;
	v22 =	vor.u32 s16, v16;
	vm9 =	vgt.f32 v20, v19  }
0x9c: {  	v37 =	vsel vm2, $0x3, v37;
	v25 =	vld.idx.msk [tilespmem:v25+s2+$0x0], $0xffff;
	v19 =	vsel vm9, v20, v19  }
0x9d: {  	v37 =	vsel vm3, $0x4, v37;
	v20 =	vor.u32 s16, v17;
	vm10 =	vgt.f32 v23, v19  }
0x9e: {  	v37 =	vsel vm4, $0x5, v37;
	v21 =	vld.idx.msk [tilespmem:v21+s2+$0x0], $0xffff;
	v19 =	vsel vm10, v23, v19  }
0x9f: {  	v23 =	vsel vm5, $0x6, v37;
	vm11 =	vgt.f32 v24, v19  }
0xa0: {  	v22 =	vld.idx.msk [tilespmem:v22+s2+$0x0], $0xffff;
	v23 =	vsel vm6, $0x7, v23;
	v19 =	vsel vm11, v24, v19  }
0xa1: {  	v23 =	vsel vm7, $0x8, v23;
	vm12 =	vgt.f32 v25, v19  }
0xa2: {  	v20 =	vld.idx.msk [tilespmem:v20+s2+$0x0], $0xffff;
	v23 =	vsel vm9, $0x9, v23;
	v19 =	vsel vm12, v25, v19  }
0xa3: {  	v23 =	vsel vm10, $0xA, v23;
	vm13 =	vgt.f32 v21, v19  }
0xa4: {  	v23 =	vsel vm11, $0xB, v23;
	v19 =	vsel vm13, v21, v19  }
0xa5: {  	v21 =	vsel vm12, $0xC, v23;
	vm14 =	vgt.f32 v22, v19  }
0xa6: {  	v21 =	vsel vm13, $0xD, v21;
	v19 =	vsel vm14, v22, v19  }
0xa7: {  	v21 =	vsel vm14, $0xE, v21;
	vm15 =	vgt.f32 v20, v19  }
0xa8: {  	v19 =	vsel vm15, $0xF, v21  }
0xa9: {  	v19 =	vadd.s32 v14, v19  }
0xaa: {  	s25 =	simm.s32 $0x0  }
0xab: {  	v20 =	vadd.s32 s25, v29  }
0xac: {  	v21 =	vadd.s32 s25, v35  }
0xad: {  	v26 =	vld [tilespmem:$0x1FF50]  }
0xae: {  	v22 =	vld.idx.msk [tilespmem:v19+s11+$0x0], $0xffff  }
0xaf: {  	[tilespmem:v19+s12+$0x0] =	vst.idx.add.f32.msk $0xffff, v18  }
0xb0: {  	v19 =	vld.idx.msk [tilespmem:v20+s10+$0x0], $0xffff  }
0xb1: {  	v20 =	vld.idx.msk [tilespmem:v21+s10+$0x0], $0xffff;
	_ =	sdelay $0x1  }
0xb2: {  	s26 =	simm.s32 $0x8  }
0xb3: {  	v21 =	vadd.s32 s26, v29  }
0xb4: {  	v23 =	vadd.s32 s26, v35  }
0xb5: {  	v19 =	vmul.f32 v19, v19;
	v20 =	vmul.f32 v20, v20  }
0xb6: {  	v46 =	vld.idx.msk [tilespmem:v26+s12+$0x0], $0xffff  }
0xb7: {  	v26 =	vld [tilespmem:$0x1FF80];
	v38 =	vadd.f32 v20, v19  }
0xb8: {  	v19 =	vld.idx.msk [tilespmem:v21+s10+$0x0], $0xffff  }
0xb9: {  	v20 =	vld.idx.msk [tilespmem:v23+s10+$0x0], $0xffff;
	v21 =	vshrl.u32 v38, $0x1;
	v23 =	vmul.f32 $5.000000000e-01, v38  }
0xba: {  	v21 =	vsub.s32 $0x5F3759DF, v21  }
0xbb: {  	v24 =	vmul.f32 v21, v23  }
0xbc: {  	s28 =	simm.s32 $0x10  }
0xbd: {  	v25 =	vadd.s32 s28, v29;
	v24 =	vmul.f32 v21, v24  }
0xbe: {  	v39 =	vadd.s32 s28, v35;
	v19 =	vmul.f32 v19, v19;
	v20 =	vmul.f32 v20, v20  }
0xbf: {  	v50 =	vld.idx.msk [tilespmem:v26+s12+$0x0], $0xffff;
	v24 =	vsub.f32 $1.500000000e+00, v24  }
0xc0: {  	v26 =	vld [tilespmem:$0x1FF90];
	v37 =	vadd.f32 v20, v19  }
0xc1: {  	v19 =	vmul.f32 v21, v24  }
0xc2: {  	v20 =	vshrl.u32 v37, $0x1;
	v41 =	vmul.f32 $5.000000000e-01, v37;
	v21 =	vld.idx.msk [tilespmem:v25+s10+$0x0], $0xffff  }
0xc3: {  	v20 =	vsub.s32 $0x5F3759DF, v20;
	v25 =	vld.idx.msk [tilespmem:v39+s10+$0x0], $0xffff;
	v24 =	vmul.f32 v19, v23  }
0xc4: {  	v61 =	vmul.f32 v20, v41  }
0xc5: {  	v24 =	vmul.f32 v24, v19  }
0xc6: {  	v39 =	vmul.f32 v20, v61  }
0xc7: {  	v24 =	vsub.f32 $1.500000000e+00, v24  }
0xc8: {  	v51 =	vld.idx.msk [tilespmem:v26+s12+$0x0], $0xffff;
	v21 =	vmul.f32 v21, v21;
	v39 =	vsub.f32 $1.500000000e+00, v39;
	v25 =	vmul.f32 v25, v25  }
0xc9: {  	v26 =	vld [tilespmem:$0x1FFA0];
	v19 =	vmul.f32 v24, v19  }
0xca: {  	v20 =	vmul.f32 v20, v39;
	v39 =	vadd.f32 v25, v21;
	v25 =	vld [tilespmem:$0x1FF70]  }
0xcb: {  	v21 =	vmul.f32 v19, v23  }
0xcc: {  	v24 =	vld [tilespmem:$0x1FF60]  }
0xcd: {  	v21 =	vmul.f32 v21, v19;
	_ =	sdelay $0x1  }
0xce: {  	s29 =	simm.s32 $0x18;
	v21 =	vsub.f32 $1.500000000e+00, v21  }
0xcf: {  	v42 =	vadd.s32 s29, v29  }
0xd0: {  	v52 =	vld.idx.msk [tilespmem:v26+s12+$0x0], $0xffff;
	v21 =	vmul.f32 v21, v19;
	v19 =	vadd.f32 v40, v36  }
0xd1: {  	v49 =	vld.idx.msk [tilespmem:v25+s12+$0x0], $0xffff  }
0xd2: {  	v25 =	vmul.f32 v20, v41;
	v36 =	vadd.f32 v22, v19;
	v19 =	vld [tilespmem:$0x1FFD0]  }
0xd3: {  	v43 =	vadd.s32 s29, v35;
	v47 =	vld.idx.msk [tilespmem:v24+s12+$0x0], $0xffff  }
0xd4: {  	v44 =	vshrl.u32 v39, $0x1;
	v24 =	vld.idx.msk [tilespmem:v42+s10+$0x0], $0xffff;
	v42 =	vmul.f32 $5.000000000e-01, v39;
	v25 =	vmul.f32 v25, v20  }
0xd5: {  	s30 =	simm.s32 $0x20;
	v26 =	vld [tilespmem:$0x1FFB0];
	v44 =	vsub.s32 $0x5F3759DF, v44  }
0xd6: {  	v48 =	vadd.s32 s30, v29;
	v54 =	vmul.f32 v44, v42;
	v25 =	vsub.f32 $1.500000000e+00, v25  }
0xd7: {  	v23 =	vmul.f32 v21, v23  }
0xd8: {  	v43 =	vld.idx.msk [tilespmem:v43+s10+$0x0], $0xffff;
	v55 =	vmul.f32 v44, v54;
	v20 =	vmul.f32 v25, v20  }
0xd9: {  	v22 =	vmul.f32 v23, v21;
	v23 =	vld [tilespmem:$0x1FFE0]  }
0xda: {  	v63 =	vsub.f32 $1.500000000e+00, v55;
	v55 =	vld.idx.msk [tilespmem:v19+s12+$0x0], $0xffff;
	v19 =	vmul.f32 v20, v41  }
0xdb: {  	v25 =	vld.idx.msk [tilespmem:v48+s10+$0x0], $0xffff  }
0xdc: {  	v48 =	vmul.f32 v19, v20;
	v19 =	vld [tilespmem:$0x1FFF0]  }
0xdd: {  	v56 =	vadd.s32 s30, v35;
	v53 =	vld.idx.msk [tilespmem:v26+s12+$0x0], $0xffff  }
0xde: {  	v26 =	vld [tilespmem:$0x1FFC0]  }
0xdf: {  	v62 =	vmul.f32 v43, v43;
	v24 =	vmul.f32 v24, v24  }
0xe0: {  	v45 =	vld.idx.msk [tilespmem:v14+s12+$0x0], $0xffff  }
0xe1: {  	v58 =	vld.idx.msk [tilespmem:v31+s12+$0x0], $0xffff;
	v40 =	vadd.f32 v62, v24  }
0xe2: {  	v24 =	vld.idx.msk [tilespmem:v56+s10+$0x0], $0xffff;
	v62 =	vmul.f32 v44, v63  }
0xe3: {  	s31 =	simm.s32 $0x28;
	v61 =	vsub.f32 $1.500000000e+00, v22;
	v44 =	vmul.f32 $5.000000000e-01, v40;
	v56 =	vld.idx.msk [tilespmem:v23+s12+$0x0], $0xffff;
	v23 =	vshrl.u32 v40, $0x1  }
0xe4: {  	v22 =	vadd.s32 s31, v29;
	v60 =	vmul.f32 v62, v42;
	v57 =	vld.idx.msk [tilespmem:v19+s12+$0x0], $0xffff;
	v19 =	vsub.s32 $0x5F3759DF, v23  }
0xe5: {  	v59 =	vld.idx.msk [tilespmem:v32+s12+$0x0], $0xffff;
	v27 =	vmul.f32 v61, v21;
	v21 =	vadd.s32 s31, v35;
	v63 =	vmul.f32 v19, v44  }
0xe6: {  	v54 =	vld.idx.msk [tilespmem:v26+s12+$0x0], $0xffff;
	v26 =	vmul.f32 v60, v62;
	v48 =	vsub.f32 $1.500000000e+00, v48;
	v23 =	vmul.f32 v25, v25  }
0xe7: {  	v43 =	vimm.f32 $0.0e+00;
	v61 =	vld.idx.msk [tilespmem:v34+s12+$0x0], $0xffff;
	v25 =	vmul.f32 v24, v24;
	v24 =	vmul.f32 v19, v63  }
0xe8: {  	s16 =	simm.s32 $0x6;
	v60 =	vld.idx.msk [tilespmem:v33+s12+$0x0], $0xffff;
	v48 =	vmul.f32 v48, v20;
	v20 =	vsub.f32 $1.500000000e+00, v26;
	v63 =	vmul.f32 v27, v38  }
.LBB2_4:
0xe9: {  	p0 =	sne.s32 s16, $0x4F;
	v26 =	vld.idx.msk [tilespmem:v22+s10+$0x0], $0xffff;
	v22 =	vadd.f32 v25, v23;
	v23 =	vsub.f32 $1.500000000e+00, v24;
	vm0 =	vgt.f32 v38, $0.0e+00;
	v38 =	vmovc v37;
	v37 =	vmovc v39  }
0xea: {  	v39 =	vmovc v40;
	v27 =	vmul.f32 v20, v62;
	v20 =	vmul.f32 v48, v41;
	v24 =	vnsel vm0, $0x0, v63;
	v41 =	vmovc v42  }
0xeb: {  	v42 =	vmovc v44;
	v25 =	vld.idx.msk [tilespmem:v21+s10+$0x0], $0xffff;
	v62 =	vmul.f32 v19, v23;
	v43 =	vadd.f32 v24, v43;
	v40 =	vmov v22  }
0xec: {  	s17 =	sshll.u32 s16, $0x3;
	v19 =	vshrl.u32 v40, $0x1;
	v21 =	vmul.f32 v27, v41;
	v20 =	vmul.f32 v20, v48  }
0xed: {  	v22 =	vadd.s32 s17, v29;
	v44 =	vmul.f32 $5.000000000e-01, v40;
	v19 =	vsub.s32 $0x5F3759DF, v19  }
.Ltmp1:
0xee: {  	v24 =	vmul.f32 v62, v42;
	v63 =	vmul.f32 v21, v27;
	v20 =	vsub.f32 $1.500000000e+00, v20;
	(pc) =	sbr.rel @p0 .LBB2_4-.Ltmp1, $4  }
0xef: {  	v21 =	vadd.s32 s17, v35;
	v23 =	vmul.f32 v26, v26;
	v26 =	vmul.f32 v19, v44  }
0xf0: {  	v28 =	vmul.f32 v24, v62;
	v63 =	vsub.f32 $1.500000000e+00, v63;
	v30 =	vmul.f32 v20, v48  }
0xf1: {  	v25 =	vmul.f32 v25, v25;
	v24 =	vmul.f32 v19, v26  }
0xf2: {  	s16 =	sadd.s32 $0x1, s16;
	v20 =	vsub.f32 $1.500000000e+00, v28;
	v48 =	vmul.f32 v63, v27;
	v63 =	vmul.f32 v30, v38  }
0xf3: {  	_ =	sdelay $0x3  }
0xf4: {  	v22 =	vld.idx.msk [tilespmem:v22+s10+$0x0], $0xffff  }
0xf5: {  	v21 =	vld.idx.msk [tilespmem:v21+s10+$0x0], $0xffff;
	_ =	sdelay $0x3  }
0xf6: {  	v23 =	vadd.f32 v25, v23  }
0xf7: {  	v22 =	vmul.f32 v22, v22;
	v21 =	vmul.f32 v21, v21  }
0xf8: {  	v27 =	vmax.f32 v45, $0.0e+00;
	v25 =	vshrl.u32 v23, $0x1;
	v26 =	vmul.f32 $5.000000000e-01, v23  }
0xf9: {  	v46 =	vmax.f32 v27, v46;
	v21 =	vadd.f32 v21, v22;
	v22 =	vsub.s32 $0x5F3759DF, v25  }
0xfa: {  	v25 =	vmax.f32 v46, v47;
	v27 =	vmul.f32 v22, v26  }
0xfb: {  	v25 =	vmax.f32 v25, v49;
	v28 =	vshrl.u32 v21, $0x1;
	v30 =	vmul.f32 $5.000000000e-01, v21  }
0xfc: {  	v24 =	vsub.f32 $1.500000000e+00, v24;
	v25 =	vmax.f32 v25, v50;
	v28 =	vsub.s32 $0x5F3759DF, v28  }
0xfd: {  	v27 =	vmul.f32 v22, v27;
	v25 =	vmax.f32 v25, v51;
	v50 =	vmul.f32 v28, v30  }
0xfe: {  	v19 =	vmul.f32 v19, v24;
	v51 =	vmax.f32 v25, v52  }
0xff: {  	v52 =	vsub.f32 $1.500000000e+00, v27;
	v24 =	vmax.f32 v51, v53;
	v27 =	vmul.f32 v28, v50  }
0x100: {  	v20 =	vmul.f32 v20, v62;
	v53 =	vmul.f32 v19, v44;
	v24 =	vmax.f32 v24, v54  }
0x101: {  	v22 =	vmul.f32 v22, v52;
	v24 =	vmax.f32 v24, v55;
	v54 =	vsub.f32 $1.500000000e+00, v27  }
0x102: {  	v55 =	vmul.f32 v53, v19;
	v27 =	vmul.f32 v48, v41;
	v24 =	vmax.f32 v24, v56  }
0x103: {  	v56 =	vmul.f32 v22, v26;
	v24 =	vmax.f32 v24, v57;
	v25 =	vmul.f32 v28, v54  }
0x104: {  	v41 =	vsub.f32 $1.500000000e+00, v55;
	v28 =	vmul.f32 v20, v42;
	v24 =	vmax.f32 v24, v58  }
0x105: {  	v45 =	vmul.f32 v56, v22;
	v24 =	vmax.f32 v24, v59;
	v58 =	vmul.f32 v25, v30  }
0x106: {  	v19 =	vmul.f32 v41, v19;
	v28 =	vmul.f32 v28, v20;
	v24 =	vmax.f32 v24, v60  }
0x107: {  	v59 =	vsub.f32 $1.500000000e+00, v45;
	v24 =	vmax.f32 v24, v61;
	v60 =	vmul.f32 v58, v25  }
0x108: {  	v61 =	vmul.f32 v19, v44;
	v28 =	vsub.f32 $1.500000000e+00, v28;
	v24 =	vmul.f32 $1.562500000e-02, v24  }
0x109: {  	v27 =	vmul.f32 v27, v48;
	v22 =	vmul.f32 v59, v22;
	v62 =	vsub.f32 $1.500000000e+00, v60  }
0x10a: {  	v20 =	vmul.f32 v28, v20;
	v28 =	vmul.f32 v61, v19;
	v49 =	vadd.f32 $-6.999999880e-01, v24  }
0x10b: {  	v50 =	vmul.f32 v22, v26;
	v25 =	vmul.f32 v62, v25  }
0x10c: {  	v51 =	vmul.f32 v20, v42;
	v28 =	vsub.f32 $1.500000000e+00, v28;
	v52 =	vmul.f32 $3.000000000e+01, v49  }
0x10d: {  	v53 =	vmul.f32 v50, v22;
	v54 =	vmul.f32 v25, v30  }
0x10e: {  	vm0 =	vgt.f32 v38, $0.0e+00;
	v19 =	vmul.f32 v28, v19;
	v28 =	vmul.f32 $1.442695020e+00, v52  }
0x10f: {  	v55 =	vmul.f32 v51, v20;
	v56 =	vsub.f32 $1.500000000e+00, v53;
	v57 =	vmul.f32 v54, v25  }
0x110: {  	v27 =	vsub.f32 $1.500000000e+00, v27;
	v58 =	vmul.f32 v19, v44;
	(erf) = vpow2.f32 v28  }
0x111: {  	vm11 =	vgt.f32 v37, $0.0e+00;
	v22 =	vmul.f32 v56, v22;
	v59 =	vsub.f32 $1.500000000e+00, v57  }
0x112: {  	v27 =	vmul.f32 v27, v48;
	v38 =	vsub.f32 $1.500000000e+00, v55;
	v60 =	vmul.f32 v58, v19  }
0x113: {  	v28 =	vnsel vm0, $0x0, v63;
	v26 =	vmul.f32 v22, v26;
	v25 =	vmul.f32 v59, v25  }
0x114: {  	v27 =	vmul.f32 v27, v37;
	v28 =	vadd.f32 v28, v43;
	v20 =	vmul.f32 v38, v20  }
0x115: {  	v61 =	vsub.f32 $1.500000000e+00, v60;
	v26 =	vmul.f32 v26, v22;
	v30 =	vmul.f32 v25, v30  }
0x116: {  	vm12 =	vgt.f32 v39, $0.0e+00;
	v27 =	vnsel vm11, $0x0, v27;
	v20 =	vmul.f32 v20, v39  }
0x117: {  	v19 =	vmul.f32 v61, v19;
	v26 =	vsub.f32 $1.500000000e+00, v26;
	v30 =	vmul.f32 v30, v25  }
0x118: {  	v27 =	vadd.f32 v27, v28;
	v20 =	vnsel vm12, $0x0, v20  }
0x119: {  	v19 =	vmul.f32 v19, v40;
	v22 =	vmul.f32 v26, v22;
	v28 =	vpop (erf);
	v62 =	vsub.f32 $1.500000000e+00, v30  }
0x11a: {  	vm13 =	vgt.f32 v40, $0.0e+00;
	v20 =	vadd.f32 v20, v27;
	v27 =	vadd.f32 $1.000000000e+00, v28  }
0x11b: {  	v19 =	vnsel vm13, $0x0, v19;
	v22 =	vmul.f32 v22, v23;
	v25 =	vmul.f32 v62, v25  }
0x11c: {  	vm14 =	vgt.f32 v23, $0.0e+00;
	v19 =	vadd.f32 v19, v20;
	v20 =	vmul.f32 v27, v36  }
0x11d: {  	v22 =	vnsel vm14, $0x0, v22;
	v63 =	vmul.f32 v25, v21  }
0x11e: {  	vm15 =	vgt.f32 v21, $0.0e+00;
	v19 =	vadd.f32 v22, v19;
	v20 =	vsub.f32 $0.0e+00, v20  }
0x11f: {  	v21 =	vnsel vm15, $0x0, v63  }
0x120: {  	v20 =	vmul.f32 $9.999999770e-03, v20;
	v19 =	vadd.f32 v21, v19;
	_ =	sdelay $0x1  }
0x121: {  	v19 =	vadd.f32 v19, v20  }
0x122: {  	[tilespmem:$0x6A00] =	vst v24  }
0x123: {  	[tilespmem:$0x6A10] =	vst v19  }
0x124: {  	[hbm4b:s6+s2] =	stream.linear.scatter [tilespmem:s13], [sflag:$0x1], $0x10, $0x38;
	[tilespmem:$0x6A20] =	vst v63  }
0x125: {  	s15 =	sadd.s32 $0x1, s15;
	_ =	swait.ge [sflag:s9], $0x10  }
0x126: {  	p0 =	sne.s32 s15, s8;
	[sflag:s9] =	ssyncset.done $0x0  }
.Ltmp2:
0x127: {  	[sflag:s9] =	ssyncadd.s32 $0xFFFFFFF0;
	(pc) =	sbr.rel @p0 .LBB2_1-.Ltmp2, $4  }
0x128: {  	[hbm4b:s7+s2] =	stream.linear.scatter [tilespmem:s14], [sflag:$0x1], $0x10, $0x38;
	[tilespmem:$0x6A20] =	vst v63  }
0x129: {  	_ =	swait.ge [sflag:s9], $0x10  }
0x12a: {  	[sflag:s9] =	ssyncset.done $0x0  }
0x12b: {  	[sflag:s9] =	ssyncadd.s32 $0xFFFFFFF0  }
0x12c: {  	_ =	sfence.sel $0x180000  }
0x12d: {  	[bflag:$0x0] =	sbarrier.arrive $0xFFFF  }
0x12e: {  	p0 =	sne.s32 s0, $0x0;
	_ =	strace $0x90000047  }
0x12f: {  	s0 =	sadd.s32 @!p0 $0x100000, s1;
	[bflag:$0x2] =	sbarrier.arrive $0xFFFF  }
0x130: {  	[sflag:s0] =	ssyncadd.tile.s32 @!p0 $0x1;
	_ =	shalt  }
.Lfunc_end2:
_tile_overlayer_lowered:
.L_overlay_start_2:
0x131: {  	(tag) =	ssettag $0x2  }
0x132: {  	s0 =	rddreg [dreg:$0x0];
	s2 =	stileid.u32  }
0x133: {  	s1 =	rddreg [dreg:$0x1];
	p0 =	sne.s32 s2, $0x0  }
0x134: {  	s3 =	rddreg [dreg:$0x2];
	[bflag:$0x3] =	sbarrier.arrive $0xFFFF;
	s2 =	simm.s32 @!p0 $0x1C01  }
0x135: {  	[timem:s3], [sflag:s2] =	dma.local @!p0 [hbm:s0], s1  }
0x136: {  	s0 =	simm.s32 @!p0 $0x1  }
0x137: {  	_ =	swait.ge @!p0 [sflag:s0], s1  }
0x138: {  	s1 =	ssub.s32 @!p0 $0x0, s1;
	[sflag:s0] =	ssyncset.done @!p0 $0x0  }
0x139: {  	[sflag:s0] =	ssyncadd.s32 @!p0 s1  }
0x13a: {  	[bflag:$0x3] =	sbarrier.arrive $0xFFFF  }
0x13b: {  	_ =	shalt  }

</sc_bundles>
